<compile_context>
chip_gen: v7x
topology: tpu7x:2x2x1
jax: 0.10.2.dev20260603
libtpu: 0.0.44.dev20260713+nightly
codegen_flags: <defaults>
</compile_context>

<pallas_src>
import jax
import jax.numpy as jnp
from jax import lax
from jax.experimental import pallas as pl
from jax.experimental.pallas import tpu as pltpu
from jax.experimental.pallas import tpu_sc as plsc

VOCAB = 49408
EMBED = 1024
MAX_POS = 77
BATCH = 1024
SEQ = 77

NQ = 4
QD = EMBED // NQ
NG = 8
B_PER_G = BATCH // NG
RP = 80
LANES = 16


def _add_pos(rows_v, pos_v, out_v):
    def row_body(r, carry):
        for j in range(QD // LANES):
            sl = pl.ds(j * LANES, LANES)
            out_v[r, sl] = rows_v[r, sl] + pos_v[r, sl]
        return carry

    lax.fori_loop(0, MAX_POS, row_body, 0)


def _body(ids_hbm, tok_hbm, pos_hbm, out_hbm,
          idx_v, rows0, rows1, st0, st1, pos_v,
          gsem0, gsem1, ssem0, ssem1):
    wid = lax.axis_index("s") * 2 + lax.axis_index("c")
    g = wid // NQ
    h = wid % NQ
    b0 = g * B_PER_G
    col = h * QD

    rows = (rows0, rows1)
    sts = (st0, st1)
    gsems = (gsem0, gsem1)
    ssems = (ssem0, ssem1)

    pltpu.sync_copy(pos_hbm.at[:, pl.ds(col, QD)], pos_v)
    pltpu.sync_copy(ids_hbm.at[pl.ds(b0 * RP, B_PER_G * RP)], idx_v)

    def stage_and_gather(c, p):
        pltpu.async_copy(
            tok_hbm.at[idx_v.at[pl.ds(c * RP, RP)], pl.ds(col, QD)],
            rows[p], gsems[p])

    def wait_gather(c, p):
        pltpu.make_async_copy(
            tok_hbm.at[idx_v.at[pl.ds(c * RP, RP)], pl.ds(col, QD)],
            rows[p], gsems[p]).wait()

    def start_store(c, p):
        pltpu.async_copy(sts[p], out_hbm.at[b0 + c, :, pl.ds(col, QD)],
                         ssems[p])

    def wait_store(c, p):
        pltpu.make_async_copy(sts[p], out_hbm.at[b0 + c, :, pl.ds(col, QD)],
                              ssems[p]).wait()

    stage_and_gather(0, 0)

    def pair_body(t, carry):
        for p in (0, 1):
            c = 2 * t + p
            if p == 0:
                stage_and_gather(c + 1, 1)
            else:
                @pl.when(t < B_PER_G // 2 - 1)
                def _():
                    stage_and_gather(c + 1, 0)
            wait_gather(c, p)
            @pl.when(t > 0)
            def _():
                wait_store(c - 2, p)
            _add_pos(rows[p], pos_v, sts[p])
            start_store(c, p)
        return carry

    lax.fori_loop(0, B_PER_G // 2, pair_body, 0)
    wait_store(B_PER_G - 2, 0)
    wait_store(B_PER_G - 1, 1)


@jax.jit
def kernel(input_ids, token_table, position_table):
    ids = jnp.pad(input_ids.astype(jnp.int32), ((0, 0), (0, RP - SEQ)))
    ids = ids.reshape(-1)
    mesh = plsc.VectorSubcoreMesh(core_axis_name="c", subcore_axis_name="s")
    return pl.kernel(
        _body,
        mesh=mesh,
        out_type=jax.ShapeDtypeStruct((BATCH, SEQ, EMBED), jnp.float32),
        scratch_types=[
            pltpu.VMEM((B_PER_G * RP,), jnp.int32),
            pltpu.VMEM((RP, QD), jnp.float32),
            pltpu.VMEM((RP, QD), jnp.float32),
            pltpu.VMEM((MAX_POS, QD), jnp.float32),
            pltpu.VMEM((MAX_POS, QD), jnp.float32),
            pltpu.VMEM((MAX_POS, QD), jnp.float32),
            pltpu.SemaphoreType.DMA,
            pltpu.SemaphoreType.DMA,
            pltpu.SemaphoreType.DMA,
            pltpu.SemaphoreType.DMA,
        ],
    )(ids, token_table, position_table)

# --- scband reference (transcript-rebuilt; emitter-appended) ---
"""Pipeline reference for scband-cliptext-embeddings-8220567404637 (READ-ONLY COPY).

The authoritative reference and input builder live on the scoring server;
editing this copy changes nothing except your own understanding.
"""

import jax, jax.numpy as jnp
import numpy as np

VOCAB = 49408
EMBED = 1024
MAX_POS = 77
BATCH = 1024
SEQ = 77

def setup_inputs(seed: int = 0) -> dict:
    key = jax.random.key(seed)
    k1, k2, k3 = jax.random.split(key, 3)
    input_ids = jax.random.randint(k1, (BATCH, SEQ), 0, VOCAB, dtype=jnp.int64 if jax.config.jax_enable_x64 else jnp.int32)
    token_table = jax.random.normal(k2, (VOCAB, EMBED), dtype=jnp.float32) * 0.02
    position_table = jax.random.normal(k3, (MAX_POS, EMBED), dtype=jnp.float32) * 0.02
    return {"input_ids": input_ids, "token_table": token_table, "position_table": position_table}

def reference(input_ids, token_table, position_table):
    seq_length = input_ids.shape[-1]
    position_ids = jnp.arange(seq_length)[None, :]
    inputs_embeds = jnp.take(token_table, input_ids, axis=0)
    position_embeddings = jnp.take(position_table, position_ids, axis=0)
    embeddings = inputs_embeds + position_embeddings
    return embeddings

if __name__ == "__main__":
    import jax
    _d = setup_inputs()
    print(jax.jit(kernel)(*tuple(_d.values())))

</pallas_src>

<mosaic_0001>
#map = affine_map<(d0, d1) -> (0)>
#map1 = affine_map<(d0, d1) -> (0, 0)>
#map2 = affine_map<(d0, d1) -> (0, 0, 0)>
module attributes {stable_mosaic.version = 14 : i64} {
  func.func @_body(%arg0: i32, %arg1: i32, %arg2: memref<81920xi32, #tpu.memory_space<hbm>>, %arg3: memref<49408x1024xf32, #tpu.memory_space<hbm>>, %arg4: memref<77x1024xf32, #tpu.memory_space<hbm>>, %arg5: memref<1024x77x1024xf32, #tpu.memory_space<hbm>>, %arg6: memref<10240xi32, #tpu.memory_space<vmem>>, %arg7: memref<80x256xf32, #tpu.memory_space<vmem>>, %arg8: memref<80x256xf32, #tpu.memory_space<vmem>>, %arg9: memref<77x256xf32, #tpu.memory_space<vmem>>, %arg10: memref<77x256xf32, #tpu.memory_space<vmem>>, %arg11: memref<77x256xf32, #tpu.memory_space<vmem>>, %arg12: memref<!tpu.dma_semaphore, #tpu.memory_space<semaphore_mem>>, %arg13: memref<!tpu.dma_semaphore, #tpu.memory_space<semaphore_mem>>, %arg14: memref<!tpu.dma_semaphore, #tpu.memory_space<semaphore_mem>>, %arg15: memref<!tpu.dma_semaphore, #tpu.memory_space<semaphore_mem>>) attributes {dimension_semantics = [#tpu.dimension_semantics<core_parallel>, #tpu.dimension_semantics<subcore_parallel>], iteration_bounds = array<i64: 2, 16>, scalar_prefetch = 0 : i64, scratch_operands = 10 : i64, tpu.core_type = #tpu.core_type<sc_vector_subcore>, window_params = [{transform_indices = #map}, {transform_indices = #map1}, {transform_indices = #map1}, {transform_indices = #map2}]} {
    %mul3A = arith.constant 2 : i32
    %mul3A_0 = arith.muli %arg1, %mul3A : i32
    %add3A = arith.addi %mul3A_0, %arg0 : i32
    %jit3A = arith.constant 4 : i32
    %div3A = arith.divsi %add3A, %jit3A : i32
    %sign3A = arith.constant 0 : i32
    %sign3A_1 = arith.cmpi sgt, %add3A, %sign3A : i32
    %sign3A_2 = arith.extui %sign3A_1 : i1 to i32
    %sign3A_3 = arith.constant 0 : i32
    %sign3A_4 = arith.cmpi slt, %add3A, %sign3A_3 : i32
    %sign3A_5 = arith.extui %sign3A_4 : i1 to i32
    %sign3A_6 = arith.subi %sign3A_2, %sign3A_5 : i32
    %sign3A_7 = arith.constant 0 : i32
    %sign3A_8 = arith.cmpi sgt, %jit3A, %sign3A_7 : i32
    %sign3A_9 = arith.extui %sign3A_8 : i1 to i32
    %sign3A_10 = arith.constant 0 : i32
    %sign3A_11 = arith.cmpi slt, %jit3A, %sign3A_10 : i32
    %sign3A_12 = arith.extui %sign3A_11 : i1 to i32
    %sign3A_13 = arith.subi %sign3A_9, %sign3A_12 : i32
    %ne3A = arith.cmpi ne, %sign3A_6, %sign3A_13 : i32
    %rem3A = arith.remsi %add3A, %jit3A : i32
    %ne3A_14 = arith.constant 0 : i32
    %ne3A_15 = arith.cmpi ne, %rem3A, %ne3A_14 : i32
    %and3A = arith.andi %ne3A, %ne3A_15 : i1
    %sub3A = arith.constant 1 : i32
    %sub3A_16 = arith.subi %div3A, %sub3A : i32
    %select_n3A = arith.select %and3A, %sub3A_16, %div3A : i32
    %jit3A_17 = arith.constant 4 : i32
    %eq3A = arith.constant 0 : i32
    %eq3A_18 = arith.cmpi eq, %jit3A_17, %eq3A : i32
    %jit3A_19 = arith.constant 1 : i32
    %select_n3A_20 = arith.select %eq3A_18, %jit3A_19, %jit3A_17 : i32
    %rem3A_21 = arith.remsi %add3A, %select_n3A_20 : i32
    %ne3A_22 = arith.constant 0 : i32
    %ne3A_23 = arith.cmpi ne, %rem3A_21, %ne3A_22 : i32
    %lt3A = arith.constant 0 : i32
    %lt3A_24 = arith.cmpi slt, %rem3A_21, %lt3A : i32
    %lt3A_25 = arith.constant 0 : i32
    %lt3A_26 = arith.cmpi slt, %select_n3A_20, %lt3A_25 : i32
    %ne3A_27 = arith.xori %lt3A_24, %lt3A_26 : i1
    %and3A_28 = arith.andi %ne3A_27, %ne3A_23 : i1
    %add3A_29 = arith.addi %rem3A_21, %select_n3A_20 : i32
    %select_n3A_30 = arith.select %and3A_28, %add3A_29, %rem3A_21 : i32
    %mul3A_31 = arith.constant 128 : i32
    %mul3A_32 = arith.muli %select_n3A, %mul3A_31 : i32
    %mul3A_33 = arith.constant 256 : i32
    %mul3A_34 = arith.muli %select_n3A_30, %mul3A_33 : i32
    "tpu.region"() ({
      %run_scoped3A = tpu.sem_alloc : memref<!tpu.dma_semaphore, #tpu.memory_space<semaphore_mem>>
      %dma_start3A_60 = arith.constant 0 : i32
      %dma_start3A_61 = tpu.memref_slice %arg4[%dma_start3A_60, %mul3A_34] : memref<77x1024xf32, #tpu.memory_space<hbm>> -> memref<77x256xf32, #tpu.memory_space<hbm>>
      %dma_start3A_62 = arith.constant 0 : i32
      %dma_start3A_63 = tpu.memref_slice %arg4[%dma_start3A_62, %mul3A_34] : memref<77x1024xf32, #tpu.memory_space<hbm>> -> memref<77x256xf32, #tpu.memory_space<hbm>>
      tpu.enqueue_dma source(%dma_start3A_63 : memref<77x256xf32, #tpu.memory_space<hbm>>) target(%arg11 : memref<77x256xf32, #tpu.memory_space<vmem>>) target_semaphore(%run_scoped3A : memref<!tpu.dma_semaphore, #tpu.memory_space<semaphore_mem>>)
      %dma_wait3A_64 = arith.constant 0 : i32
      %dma_wait3A_65 = tpu.memref_slice %arg4[%dma_wait3A_64, %mul3A_34] : memref<77x1024xf32, #tpu.memory_space<hbm>> -> memref<77x256xf32, #tpu.memory_space<hbm>>
      %dma_wait3A_66 = arith.constant 0 : i32
      %dma_wait3A_67 = tpu.memref_slice %arg4[%dma_wait3A_66, %mul3A_34] : memref<77x1024xf32, #tpu.memory_space<hbm>> -> memref<77x256xf32, #tpu.memory_space<hbm>>
      tpu.wait_dma2 semaphore(%run_scoped3A : memref<!tpu.dma_semaphore, #tpu.memory_space<semaphore_mem>>) src(%dma_wait3A_67 : memref<77x256xf32, #tpu.memory_space<hbm>>) dst(%arg11 : memref<77x256xf32, #tpu.memory_space<vmem>>)
      tpu.yield
    }) : () -> ()
    %mul3A_35 = arith.constant 80 : i32
    %mul3A_36 = arith.muli %mul3A_32, %mul3A_35 : i32
    "tpu.region"() ({
      %run_scoped3A = tpu.sem_alloc : memref<!tpu.dma_semaphore, #tpu.memory_space<semaphore_mem>>
      %dma_start3A_60 = tpu.memref_slice %arg2[%mul3A_36] : memref<81920xi32, #tpu.memory_space<hbm>> -> memref<10240xi32, #tpu.memory_space<hbm>>
      %dma_start3A_61 = tpu.memref_slice %arg2[%mul3A_36] : memref<81920xi32, #tpu.memory_space<hbm>> -> memref<10240xi32, #tpu.memory_space<hbm>>
      tpu.enqueue_dma source(%dma_start3A_61 : memref<10240xi32, #tpu.memory_space<hbm>>) target(%arg6 : memref<10240xi32, #tpu.memory_space<vmem>>) target_semaphore(%run_scoped3A : memref<!tpu.dma_semaphore, #tpu.memory_space<semaphore_mem>>)
      %dma_wait3A_62 = tpu.memref_slice %arg2[%mul3A_36] : memref<81920xi32, #tpu.memory_space<hbm>> -> memref<10240xi32, #tpu.memory_space<hbm>>
      %dma_wait3A_63 = tpu.memref_slice %arg2[%mul3A_36] : memref<81920xi32, #tpu.memory_space<hbm>> -> memref<10240xi32, #tpu.memory_space<hbm>>
      tpu.wait_dma2 semaphore(%run_scoped3A : memref<!tpu.dma_semaphore, #tpu.memory_space<semaphore_mem>>) src(%dma_wait3A_63 : memref<10240xi32, #tpu.memory_space<hbm>>) dst(%arg6 : memref<10240xi32, #tpu.memory_space<vmem>>)
      tpu.yield
    }) : () -> ()
    %dma_start3A = arith.constant 0 : i32
    %dma_start3A_37 = tpu.memref_slice %arg6[%dma_start3A] : memref<10240xi32, #tpu.memory_space<vmem>> -> memref<80xi32, #tpu.memory_space<vmem>>
    %dma_start3A_38 = arith.constant 0 : i32
    %dma_start3A_39 = tpu.memref_slice %arg3[%dma_start3A_38, %mul3A_34] : memref<49408x1024xf32, #tpu.memory_space<hbm>> -> memref<49408x256xf32, #tpu.memory_space<hbm>>
    tpu.enqueue_indirect_dma source(%dma_start3A_39 : memref<49408x256xf32, #tpu.memory_space<hbm>>) target(%arg7 : memref<80x256xf32, #tpu.memory_space<vmem>>) offsets(%dma_start3A_37 : memref<80xi32, #tpu.memory_space<vmem>>) semaphore(%arg12 : memref<!tpu.dma_semaphore, #tpu.memory_space<semaphore_mem>>)
    %scan3A = arith.constant 0 : i32
    %scan3A_40 = arith.constant 0 : i32
    %scan3A_41 = arith.constant 64 : i32
    %scan3A_42 = arith.addi %scan3A_40, %scan3A_41 : i32
    %scan3A_43 = arith.constant 1 : i32
    scf.for %scan3A_60 = %scan3A_40 to %scan3A_42 step %scan3A_43  : i32 {
      %mul3A_61 = arith.constant 2 : i32
      %mul3A_62 = arith.muli %mul3A_61, %scan3A_60 : i32
      %add3A_63 = arith.constant 0 : i32
      %add3A_64 = arith.addi %mul3A_62, %add3A_63 : i32
      %add3A_65 = arith.constant 1 : i32
      %add3A_66 = arith.addi %add3A_64, %add3A_65 : i32
      %mul3A_67 = arith.constant 80 : i32
      %mul3A_68 = arith.muli %add3A_66, %mul3A_67 : i32
      %dma_start3A_69 = tpu.memref_slice %arg6[%mul3A_68] : memref<10240xi32, #tpu.memory_space<vmem>> -> memref<80xi32, #tpu.memory_space<vmem>>
      %dma_start3A_70 = arith.constant 0 : i32
      %dma_start3A_71 = tpu.memref_slice %arg3[%dma_start3A_70, %mul3A_34] : memref<49408x1024xf32, #tpu.memory_space<hbm>> -> memref<49408x256xf32, #tpu.memory_space<hbm>>
      tpu.enqueue_indirect_dma source(%dma_start3A_71 : memref<49408x256xf32, #tpu.memory_space<hbm>>) target(%arg8 : memref<80x256xf32, #tpu.memory_space<vmem>>) offsets(%dma_start3A_69 : memref<80xi32, #tpu.memory_space<vmem>>) semaphore(%arg13 : memref<!tpu.dma_semaphore, #tpu.memory_space<semaphore_mem>>)
      %mul3A_72 = arith.constant 80 : i32
      %mul3A_73 = arith.muli %add3A_64, %mul3A_72 : i32
      %dma_wait3A_74 = tpu.memref_slice %arg6[%mul3A_73] : memref<10240xi32, #tpu.memory_space<vmem>> -> memref<80xi32, #tpu.memory_space<vmem>>
      %dma_wait3A_75 = arith.constant 0 : i32
      %dma_wait3A_76 = tpu.memref_slice %arg3[%dma_wait3A_75, %mul3A_34] : memref<49408x1024xf32, #tpu.memory_space<hbm>> -> memref<49408x256xf32, #tpu.memory_space<hbm>>
      tpu.wait_indirect_dma semaphore(%arg12 : memref<!tpu.dma_semaphore, #tpu.memory_space<semaphore_mem>>) src(%dma_wait3A_76 : memref<49408x256xf32, #tpu.memory_space<hbm>>) dst(%arg7 : memref<80x256xf32, #tpu.memory_space<vmem>>)
      %gt3A = arith.constant 0 : i32
      %gt3A_77 = arith.cmpi sgt, %scan3A_60, %gt3A : i32
      %convert_element_type3A = arith.extui %gt3A_77 : i1 to i32
      %cond3A = arith.constant 0 : i32
      %cond3A_78 = arith.cmpi ne, %convert_element_type3A, %cond3A : i32
      scf.if %cond3A_78 {
        %sub3A_124 = arith.constant 2 : i32
        %sub3A_125 = arith.subi %add3A_64, %sub3A_124 : i32
        %add3A_126 = arith.addi %mul3A_32, %sub3A_125 : i32
        %dma_wait3A_127 = arith.constant 0 : i32
        %dma_wait3A_128 = tpu.memref_slice %arg5[%add3A_126, %dma_wait3A_127, %mul3A_34] : memref<1024x77x1024xf32, #tpu.memory_space<hbm>> -> memref<1x77x256xf32, #tpu.memory_space<hbm>>
        %dma_wait3A_129 = tpu.memref_squeeze %dma_wait3A_128 : memref<1x77x256xf32, #tpu.memory_space<hbm>> -> memref<77x256xf32, #tpu.memory_space<hbm>>
        %dma_wait3A_130 = arith.constant 0 : i32
        %dma_wait3A_131 = tpu.memref_slice %arg5[%add3A_126, %dma_wait3A_130, %mul3A_34] : memref<1024x77x1024xf32, #tpu.memory_space<hbm>> -> memref<1x77x256xf32, #tpu.memory_space<hbm>>
        %dma_wait3A_132 = tpu.memref_squeeze %dma_wait3A_131 : memref<1x77x256xf32, #tpu.memory_space<hbm>> -> memref<77x256xf32, #tpu.memory_space<hbm>>
        tpu.wait_dma2 semaphore(%arg14 : memref<!tpu.dma_semaphore, #tpu.memory_space<semaphore_mem>>) src(%arg9 : memref<77x256xf32, #tpu.memory_space<vmem>>) dst(%dma_wait3A_132 : memref<77x256xf32, #tpu.memory_space<hbm>>)
      } else {
      }
      %scan3A_79 = arith.constant 0 : i32
      %scan3A_80 = arith.constant 0 : i32
      %scan3A_81 = arith.constant 77 : i32
      %scan3A_82 = arith.addi %scan3A_80, %scan3A_81 : i32
      %scan3A_83 = arith.constant 1 : i32
      scf.for %scan3A_124 = %scan3A_80 to %scan3A_82 step %scan3A_83  : i32 {
        %get3A = arith.index_cast %scan3A_124 : i32 to index
        %get3A_125 = arith.constant 0 : index
        %get3A_126 = tpu.vector_load %arg7[%get3A, %get3A_125] {strides = array<i32>} : memref<80x256xf32, #tpu.memory_space<vmem>>, vector<1x16xf32>,
        %get3A_127 = vector.shape_cast %get3A_126 : vector<1x16xf32> to vector<16xf32>
        %get3A_128 = arith.index_cast %scan3A_124 : i32 to index
        %get3A_129 = arith.constant 0 : index
        %get3A_130 = tpu.vector_load %arg11[%get3A_128, %get3A_129] {strides = array<i32>} : memref<77x256xf32, #tpu.memory_space<vmem>>, vector<1x16xf32>,
        %get3A_131 = vector.shape_cast %get3A_130 : vector<1x16xf32> to vector<16xf32>
        %add3A_132 = arith.addf %get3A_127, %get3A_131 : vector<16xf32>
        %swap3A = arith.index_cast %scan3A_124 : i32 to index
        %swap3A_133 = arith.constant 0 : index
        %swap3A_134 = tpu.vector_load %arg9[%swap3A, %swap3A_133] {strides = array<i32>} : memref<77x256xf32, #tpu.memory_space<vmem>>, vector<1x16xf32>,
        %swap3A_135 = vector.shape_cast %swap3A_134 : vector<1x16xf32> to vector<16xf32>
        %swap3A_136 = vector.shape_cast %add3A_132 : vector<16xf32> to vector<1x16xf32>
        tpu.vector_store %arg9[%swap3A, %swap3A_133], %swap3A_136 {strides = array<i32>} : memref<77x256xf32, #tpu.memory_space<vmem>>, vector<1x16xf32>,
        %get3A_137 = arith.index_cast %scan3A_124 : i32 to index
        %get3A_138 = arith.constant 16 : index
        %get3A_139 = tpu.vector_load %arg7[%get3A_137, %get3A_138] {strides = array<i32>} : memref<80x256xf32, #tpu.memory_space<vmem>>, vector<1x16xf32>,
        %get3A_140 = vector.shape_cast %get3A_139 : vector<1x16xf32> to vector<16xf32>
        %get3A_141 = arith.index_cast %scan3A_124 : i32 to index
        %get3A_142 = arith.constant 16 : index
        %get3A_143 = tpu.vector_load %arg11[%get3A_141, %get3A_142] {strides = array<i32>} : memref<77x256xf32, #tpu.memory_space<vmem>>, vector<1x16xf32>,
        %get3A_144 = vector.shape_cast %get3A_143 : vector<1x16xf32> to vector<16xf32>
        %add3A_145 = arith.addf %get3A_140, %get3A_144 : vector<16xf32>
        %swap3A_146 = arith.index_cast %scan3A_124 : i32 to index
        %swap3A_147 = arith.constant 16 : index
        %swap3A_148 = tpu.vector_load %arg9[%swap3A_146, %swap3A_147] {strides = array<i32>} : memref<77x256xf32, #tpu.memory_space<vmem>>, vector<1x16xf32>,
        %swap3A_149 = vector.shape_cast %swap3A_148 : vector<1x16xf32> to vector<16xf32>
        %swap3A_150 = vector.shape_cast %add3A_145 : vector<16xf32> to vector<1x16xf32>
        tpu.vector_store %arg9[%swap3A_146, %swap3A_147], %swap3A_150 {strides = array<i32>} : memref<77x256xf32, #tpu.memory_space<vmem>>, vector<1x16xf32>,
        %get3A_151 = arith.index_cast %scan3A_124 : i32 to index
        %get3A_152 = arith.constant 32 : index
        %get3A_153 = tpu.vector_load %arg7[%get3A_151, %get3A_152] {strides = array<i32>} : memref<80x256xf32, #tpu.memory_space<vmem>>, vector<1x16xf32>,
        %get3A_154 = vector.shape_cast %get3A_153 : vector<1x16xf32> to vector<16xf32>
        %get3A_155 = arith.index_cast %scan3A_124 : i32 to index
        %get3A_156 = arith.constant 32 : index
        %get3A_157 = tpu.vector_load %arg11[%get3A_155, %get3A_156] {strides = array<i32>} : memref<77x256xf32, #tpu.memory_space<vmem>>, vector<1x16xf32>,
        %get3A_158 = vector.shape_cast %get3A_157 : vector<1x16xf32> to vector<16xf32>
        %add3A_159 = arith.addf %get3A_154, %get3A_158 : vector<16xf32>
        %swap3A_160 = arith.index_cast %scan3A_124 : i32 to index
        %swap3A_161 = arith.constant 32 : index
        %swap3A_162 = tpu.vector_load %arg9[%swap3A_160, %swap3A_161] {strides = array<i32>} : memref<77x256xf32, #tpu.memory_space<vmem>>, vector<1x16xf32>,
        %swap3A_163 = vector.shape_cast %swap3A_162 : vector<1x16xf32> to vector<16xf32>
        %swap3A_164 = vector.shape_cast %add3A_159 : vector<16xf32> to vector<1x16xf32>
        tpu.vector_store %arg9[%swap3A_160, %swap3A_161], %swap3A_164 {strides = array<i32>} : memref<77x256xf32, #tpu.memory_space<vmem>>, vector<1x16xf32>,
        %get3A_165 = arith.index_cast %scan3A_124 : i32 to index
        %get3A_166 = arith.constant 48 : index
        %get3A_167 = tpu.vector_load %arg7[%get3A_165, %get3A_166] {strides = array<i32>} : memref<80x256xf32, #tpu.memory_space<vmem>>, vector<1x16xf32>,
        %get3A_168 = vector.shape_cast %get3A_167 : vector<1x16xf32> to vector<16xf32>
        %get3A_169 = arith.index_cast %scan3A_124 : i32 to index
        %get3A_170 = arith.constant 48 : index
        %get3A_171 = tpu.vector_load %arg11[%get3A_169, %get3A_170] {strides = array<i32>} : memref<77x256xf32, #tpu.memory_space<vmem>>, vector<1x16xf32>,
        %get3A_172 = vector.shape_cast %get3A_171 : vector<1x16xf32> to vector<16xf32>
        %add3A_173 = arith.addf %get3A_168, %get3A_172 : vector<16xf32>
        %swap3A_174 = arith.index_cast %scan3A_124 : i32 to index
        %swap3A_175 = arith.constant 48 : index
        %swap3A_176 = tpu.vector_load %arg9[%swap3A_174, %swap3A_175] {strides = array<i32>} : memref<77x256xf32, #tpu.memory_space<vmem>>, vector<1x16xf32>,
        %swap3A_177 = vector.shape_cast %swap3A_176 : vector<1x16xf32> to vector<16xf32>
        %swap3A_178 = vector.shape_cast %add3A_173 : vector<16xf32> to vector<1x16xf32>
        tpu.vector_store %arg9[%swap3A_174, %swap3A_175], %swap3A_178 {strides = array<i32>} : memref<77x256xf32, #tpu.memory_space<vmem>>, vector<1x16xf32>,
        %get3A_179 = arith.index_cast %scan3A_124 : i32 to index
        %get3A_180 = arith.constant 64 : index
        %get3A_181 = tpu.vector_load %arg7[%get3A_179, %get3A_180] {strides = array<i32>} : memref<80x256xf32, #tpu.memory_space<vmem>>, vector<1x16xf32>,
        %get3A_182 = vector.shape_cast %get3A_181 : vector<1x16xf32> to vector<16xf32>
        %get3A_183 = arith.index_cast %scan3A_124 : i32 to index
        %get3A_184 = arith.constant 64 : index
        %get3A_185 = tpu.vector_load %arg11[%get3A_183, %get3A_184] {strides = array<i32>} : memref<77x256xf32, #tpu.memory_space<vmem>>, vector<1x16xf32>,
        %get3A_186 = vector.shape_cast %get3A_185 : vector<1x16xf32> to vector<16xf32>
        %add3A_187 = arith.addf %get3A_182, %get3A_186 : vector<16xf32>
        %swap3A_188 = arith.index_cast %scan3A_124 : i32 to index
        %swap3A_189 = arith.constant 64 : index
        %swap3A_190 = tpu.vector_load %arg9[%swap3A_188, %swap3A_189] {strides = array<i32>} : memref<77x256xf32, #tpu.memory_space<vmem>>, vector<1x16xf32>,
        %swap3A_191 = vector.shape_cast %swap3A_190 : vector<1x16xf32> to vector<16xf32>
        %swap3A_192 = vector.shape_cast %add3A_187 : vector<16xf32> to vector<1x16xf32>
        tpu.vector_store %arg9[%swap3A_188, %swap3A_189], %swap3A_192 {strides = array<i32>} : memref<77x256xf32, #tpu.memory_space<vmem>>, vector<1x16xf32>,
        %get3A_193 = arith.index_cast %scan3A_124 : i32 to index
        %get3A_194 = arith.constant 80 : index
        %get3A_195 = tpu.vector_load %arg7[%get3A_193, %get3A_194] {strides = array<i32>} : memref<80x256xf32, #tpu.memory_space<vmem>>, vector<1x16xf32>,
        %get3A_196 = vector.shape_cast %get3A_195 : vector<1x16xf32> to vector<16xf32>
        %get3A_197 = arith.index_cast %scan3A_124 : i32 to index
        %get3A_198 = arith.constant 80 : index
        %get3A_199 = tpu.vector_load %arg11[%get3A_197, %get3A_198] {strides = array<i32>} : memref<77x256xf32, #tpu.memory_space<vmem>>, vector<1x16xf32>,
        %get3A_200 = vector.shape_cast %get3A_199 : vector<1x16xf32> to vector<16xf32>
        %add3A_201 = arith.addf %get3A_196, %get3A_200 : vector<16xf32>
        %swap3A_202 = arith.index_cast %scan3A_124 : i32 to index
        %swap3A_203 = arith.constant 80 : index
        %swap3A_204 = tpu.vector_load %arg9[%swap3A_202, %swap3A_203] {strides = array<i32>} : memref<77x256xf32, #tpu.memory_space<vmem>>, vector<1x16xf32>,
        %swap3A_205 = vector.shape_cast %swap3A_204 : vector<1x16xf32> to vector<16xf32>
        %swap3A_206 = vector.shape_cast %add3A_201 : vector<16xf32> to vector<1x16xf32>
        tpu.vector_store %arg9[%swap3A_202, %swap3A_203], %swap3A_206 {strides = array<i32>} : memref<77x256xf32, #tpu.memory_space<vmem>>, vector<1x16xf32>,
        %get3A_207 = arith.index_cast %scan3A_124 : i32 to index
        %get3A_208 = arith.constant 96 : index
        %get3A_209 = tpu.vector_load %arg7[%get3A_207, %get3A_208] {strides = array<i32>} : memref<80x256xf32, #tpu.memory_space<vmem>>, vector<1x16xf32>,
        %get3A_210 = vector.shape_cast %get3A_209 : vector<1x16xf32> to vector<16xf32>
        %get3A_211 = arith.index_cast %scan3A_124 : i32 to index
        %get3A_212 = arith.constant 96 : index
        %get3A_213 = tpu.vector_load %arg11[%get3A_211, %get3A_212] {strides = array<i32>} : memref<77x256xf32, #tpu.memory_space<vmem>>, vector<1x16xf32>,
        %get3A_214 = vector.shape_cast %get3A_213 : vector<1x16xf32> to vector<16xf32>
        %add3A_215 = arith.addf %get3A_210, %get3A_214 : vector<16xf32>
        %swap3A_216 = arith.index_cast %scan3A_124 : i32 to index
        %swap3A_217 = arith.constant 96 : index
        %swap3A_218 = tpu.vector_load %arg9[%swap3A_216, %swap3A_217] {strides = array<i32>} : memref<77x256xf32, #tpu.memory_space<vmem>>, vector<1x16xf32>,
        %swap3A_219 = vector.shape_cast %swap3A_218 : vector<1x16xf32> to vector<16xf32>
        %swap3A_220 = vector.shape_cast %add3A_215 : vector<16xf32> to vector<1x16xf32>
        tpu.vector_store %arg9[%swap3A_216, %swap3A_217], %swap3A_220 {strides = array<i32>} : memref<77x256xf32, #tpu.memory_space<vmem>>, vector<1x16xf32>,
        %get3A_221 = arith.index_cast %scan3A_124 : i32 to index
        %get3A_222 = arith.constant 112 : index
        %get3A_223 = tpu.vector_load %arg7[%get3A_221, %get3A_222] {strides = array<i32>} : memref<80x256xf32, #tpu.memory_space<vmem>>, vector<1x16xf32>,
        %get3A_224 = vector.shape_cast %get3A_223 : vector<1x16xf32> to vector<16xf32>
        %get3A_225 = arith.index_cast %scan3A_124 : i32 to index
        %get3A_226 = arith.constant 112 : index
        %get3A_227 = tpu.vector_load %arg11[%get3A_225, %get3A_226] {strides = array<i32>} : memref<77x256xf32, #tpu.memory_space<vmem>>, vector<1x16xf32>,
        %get3A_228 = vector.shape_cast %get3A_227 : vector<1x16xf32> to vector<16xf32>
        %add3A_229 = arith.addf %get3A_224, %get3A_228 : vector<16xf32>
        %swap3A_230 = arith.index_cast %scan3A_124 : i32 to index
        %swap3A_231 = arith.constant 112 : index
        %swap3A_232 = tpu.vector_load %arg9[%swap3A_230, %swap3A_231] {strides = array<i32>} : memref<77x256xf32, #tpu.memory_space<vmem>>, vector<1x16xf32>,
        %swap3A_233 = vector.shape_cast %swap3A_232 : vector<1x16xf32> to vector<16xf32>
        %swap3A_234 = vector.shape_cast %add3A_229 : vector<16xf32> to vector<1x16xf32>
        tpu.vector_store %arg9[%swap3A_230, %swap3A_231], %swap3A_234 {strides = array<i32>} : memref<77x256xf32, #tpu.memory_space<vmem>>, vector<1x16xf32>,
        %get3A_235 = arith.index_cast %scan3A_124 : i32 to index
        %get3A_236 = arith.constant 128 : index
        %get3A_237 = tpu.vector_load %arg7[%get3A_235, %get3A_236] {strides = array<i32>} : memref<80x256xf32, #tpu.memory_space<vmem>>, vector<1x16xf32>,
        %get3A_238 = vector.shape_cast %get3A_237 : vector<1x16xf32> to vector<16xf32>
        %get3A_239 = arith.index_cast %scan3A_124 : i32 to index
        %get3A_240 = arith.constant 128 : index
        %get3A_241 = tpu.vector_load %arg11[%get3A_239, %get3A_240] {strides = array<i32>} : memref<77x256xf32, #tpu.memory_space<vmem>>, vector<1x16xf32>,
        %get3A_242 = vector.shape_cast %get3A_241 : vector<1x16xf32> to vector<16xf32>
        %add3A_243 = arith.addf %get3A_238, %get3A_242 : vector<16xf32>
        %swap3A_244 = arith.index_cast %scan3A_124 : i32 to index
        %swap3A_245 = arith.constant 128 : index
        %swap3A_246 = tpu.vector_load %arg9[%swap3A_244, %swap3A_245] {strides = array<i32>} : memref<77x256xf32, #tpu.memory_space<vmem>>, vector<1x16xf32>,
        %swap3A_247 = vector.shape_cast %swap3A_246 : vector<1x16xf32> to vector<16xf32>
        %swap3A_248 = vector.shape_cast %add3A_243 : vector<16xf32> to vector<1x16xf32>
        tpu.vector_store %arg9[%swap3A_244, %swap3A_245], %swap3A_248 {strides = array<i32>} : memref<77x256xf32, #tpu.memory_space<vmem>>, vector<1x16xf32>,
        %get3A_249 = arith.index_cast %scan3A_124 : i32 to index
        %get3A_250 = arith.constant 144 : index
        %get3A_251 = tpu.vector_load %arg7[%get3A_249, %get3A_250] {strides = array<i32>} : memref<80x256xf32, #tpu.memory_space<vmem>>, vector<1x16xf32>,
        %get3A_252 = vector.shape_cast %get3A_251 : vector<1x16xf32> to vector<16xf32>
        %get3A_253 = arith.index_cast %scan3A_124 : i32 to index
        %get3A_254 = arith.constant 144 : index
        %get3A_255 = tpu.vector_load %arg11[%get3A_253, %get3A_254] {strides = array<i32>} : memref<77x256xf32, #tpu.memory_space<vmem>>, vector<1x16xf32>,
        %get3A_256 = vector.shape_cast %get3A_255 : vector<1x16xf32> to vector<16xf32>
        %add3A_257 = arith.addf %get3A_252, %get3A_256 : vector<16xf32>
        %swap3A_258 = arith.index_cast %scan3A_124 : i32 to index
        %swap3A_259 = arith.constant 144 : index
        %swap3A_260 = tpu.vector_load %arg9[%swap3A_258, %swap3A_259] {strides = array<i32>} : memref<77x256xf32, #tpu.memory_space<vmem>>, vector<1x16xf32>,
        %swap3A_261 = vector.shape_cast %swap3A_260 : vector<1x16xf32> to vector<16xf32>
        %swap3A_262 = vector.shape_cast %add3A_257 : vector<16xf32> to vector<1x16xf32>
        tpu.vector_store %arg9[%swap3A_258, %swap3A_259], %swap3A_262 {strides = array<i32>} : memref<77x256xf32, #tpu.memory_space<vmem>>, vector<1x16xf32>,
        %get3A_263 = arith.index_cast %scan3A_124 : i32 to index
        %get3A_264 = arith.constant 160 : index
        %get3A_265 = tpu.vector_load %arg7[%get3A_263, %get3A_264] {strides = array<i32>} : memref<80x256xf32, #tpu.memory_space<vmem>>, vector<1x16xf32>,
        %get3A_266 = vector.shape_cast %get3A_265 : vector<1x16xf32> to vector<16xf32>
        %get3A_267 = arith.index_cast %scan3A_124 : i32 to index
        %get3A_268 = arith.constant 160 : index
        %get3A_269 = tpu.vector_load %arg11[%get3A_267, %get3A_268] {strides = array<i32>} : memref<77x256xf32, #tpu.memory_space<vmem>>, vector<1x16xf32>,
        %get3A_270 = vector.shape_cast %get3A_269 : vector<1x16xf32> to vector<16xf32>
        %add3A_271 = arith.addf %get3A_266, %get3A_270 : vector<16xf32>
        %swap3A_272 = arith.index_cast %scan3A_124 : i32 to index
        %swap3A_273 = arith.constant 160 : index
        %swap3A_274 = tpu.vector_load %arg9[%swap3A_272, %swap3A_273] {strides = array<i32>} : memref<77x256xf32, #tpu.memory_space<vmem>>, vector<1x16xf32>,
        %swap3A_275 = vector.shape_cast %swap3A_274 : vector<1x16xf32> to vector<16xf32>
        %swap3A_276 = vector.shape_cast %add3A_271 : vector<16xf32> to vector<1x16xf32>
        tpu.vector_store %arg9[%swap3A_272, %swap3A_273], %swap3A_276 {strides = array<i32>} : memref<77x256xf32, #tpu.memory_space<vmem>>, vector<1x16xf32>,
        %get3A_277 = arith.index_cast %scan3A_124 : i32 to index
        %get3A_278 = arith.constant 176 : index
        %get3A_279 = tpu.vector_load %arg7[%get3A_277, %get3A_278] {strides = array<i32>} : memref<80x256xf32, #tpu.memory_space<vmem>>, vector<1x16xf32>,
        %get3A_280 = vector.shape_cast %get3A_279 : vector<1x16xf32> to vector<16xf32>
        %get3A_281 = arith.index_cast %scan3A_124 : i32 to index
        %get3A_282 = arith.constant 176 : index
        %get3A_283 = tpu.vector_load %arg11[%get3A_281, %get3A_282] {strides = array<i32>} : memref<77x256xf32, #tpu.memory_space<vmem>>, vector<1x16xf32>,
        %get3A_284 = vector.shape_cast %get3A_283 : vector<1x16xf32> to vector<16xf32>
        %add3A_285 = arith.addf %get3A_280, %get3A_284 : vector<16xf32>
        %swap3A_286 = arith.index_cast %scan3A_124 : i32 to index
        %swap3A_287 = arith.constant 176 : index
        %swap3A_288 = tpu.vector_load %arg9[%swap3A_286, %swap3A_287] {strides = array<i32>} : memref<77x256xf32, #tpu.memory_space<vmem>>, vector<1x16xf32>,
        %swap3A_289 = vector.shape_cast %swap3A_288 : vector<1x16xf32> to vector<16xf32>
        %swap3A_290 = vector.shape_cast %add3A_285 : vector<16xf32> to vector<1x16xf32>
        tpu.vector_store %arg9[%swap3A_286, %swap3A_287], %swap3A_290 {strides = array<i32>} : memref<77x256xf32, #tpu.memory_space<vmem>>, vector<1x16xf32>,
        %get3A_291 = arith.index_cast %scan3A_124 : i32 to index
        %get3A_292 = arith.constant 192 : index
        %get3A_293 = tpu.vector_load %arg7[%get3A_291, %get3A_292] {strides = array<i32>} : memref<80x256xf32, #tpu.memory_space<vmem>>, vector<1x16xf32>,
        %get3A_294 = vector.shape_cast %get3A_293 : vector<1x16xf32> to vector<16xf32>
        %get3A_295 = arith.index_cast %scan3A_124 : i32 to index
        %get3A_296 = arith.constant 192 : index
        %get3A_297 = tpu.vector_load %arg11[%get3A_295, %get3A_296] {strides = array<i32>} : memref<77x256xf32, #tpu.memory_space<vmem>>, vector<1x16xf32>,
        %get3A_298 = vector.shape_cast %get3A_297 : vector<1x16xf32> to vector<16xf32>
        %add3A_299 = arith.addf %get3A_294, %get3A_298 : vector<16xf32>
        %swap3A_300 = arith.index_cast %scan3A_124 : i32 to index
        %swap3A_301 = arith.constant 192 : index
        %swap3A_302 = tpu.vector_load %arg9[%swap3A_300, %swap3A_301] {strides = array<i32>} : memref<77x256xf32, #tpu.memory_space<vmem>>, vector<1x16xf32>,
        %swap3A_303 = vector.shape_cast %swap3A_302 : vector<1x16xf32> to vector<16xf32>
        %swap3A_304 = vector.shape_cast %add3A_299 : vector<16xf32> to vector<1x16xf32>
        tpu.vector_store %arg9[%swap3A_300, %swap3A_301], %swap3A_304 {strides = array<i32>} : memref<77x256xf32, #tpu.memory_space<vmem>>, vector<1x16xf32>,
        %get3A_305 = arith.index_cast %scan3A_124 : i32 to index
        %get3A_306 = arith.constant 208 : index
        %get3A_307 = tpu.vector_load %arg7[%get3A_305, %get3A_306] {strides = array<i32>} : memref<80x256xf32, #tpu.memory_space<vmem>>, vector<1x16xf32>,
        %get3A_308 = vector.shape_cast %get3A_307 : vector<1x16xf32> to vector<16xf32>
        %get3A_309 = arith.index_cast %scan3A_124 : i32 to index
        %get3A_310 = arith.constant 208 : index
        %get3A_311 = tpu.vector_load %arg11[%get3A_309, %get3A_310] {strides = array<i32>} : memref<77x256xf32, #tpu.memory_space<vmem>>, vector<1x16xf32>,
        %get3A_312 = vector.shape_cast %get3A_311 : vector<1x16xf32> to vector<16xf32>
        %add3A_313 = arith.addf %get3A_308, %get3A_312 : vector<16xf32>
        %swap3A_314 = arith.index_cast %scan3A_124 : i32 to index
        %swap3A_315 = arith.constant 208 : index
        %swap3A_316 = tpu.vector_load %arg9[%swap3A_314, %swap3A_315] {strides = array<i32>} : memref<77x256xf32, #tpu.memory_space<vmem>>, vector<1x16xf32>,
        %swap3A_317 = vector.shape_cast %swap3A_316 : vector<1x16xf32> to vector<16xf32>
        %swap3A_318 = vector.shape_cast %add3A_313 : vector<16xf32> to vector<1x16xf32>
        tpu.vector_store %arg9[%swap3A_314, %swap3A_315], %swap3A_318 {strides = array<i32>} : memref<77x256xf32, #tpu.memory_space<vmem>>, vector<1x16xf32>,
        %get3A_319 = arith.index_cast %scan3A_124 : i32 to index
        %get3A_320 = arith.constant 224 : index
        %get3A_321 = tpu.vector_load %arg7[%get3A_319, %get3A_320] {strides = array<i32>} : memref<80x256xf32, #tpu.memory_space<vmem>>, vector<1x16xf32>,
        %get3A_322 = vector.shape_cast %get3A_321 : vector<1x16xf32> to vector<16xf32>
        %get3A_323 = arith.index_cast %scan3A_124 : i32 to index
        %get3A_324 = arith.constant 224 : index
        %get3A_325 = tpu.vector_load %arg11[%get3A_323, %get3A_324] {strides = array<i32>} : memref<77x256xf32, #tpu.memory_space<vmem>>, vector<1x16xf32>,
        %get3A_326 = vector.shape_cast %get3A_325 : vector<1x16xf32> to vector<16xf32>
        %add3A_327 = arith.addf %get3A_322, %get3A_326 : vector<16xf32>
        %swap3A_328 = arith.index_cast %scan3A_124 : i32 to index
        %swap3A_329 = arith.constant 224 : index
        %swap3A_330 = tpu.vector_load %arg9[%swap3A_328, %swap3A_329] {strides = array<i32>} : memref<77x256xf32, #tpu.memory_space<vmem>>, vector<1x16xf32>,
        %swap3A_331 = vector.shape_cast %swap3A_330 : vector<1x16xf32> to vector<16xf32>
        %swap3A_332 = vector.shape_cast %add3A_327 : vector<16xf32> to vector<1x16xf32>
        tpu.vector_store %arg9[%swap3A_328, %swap3A_329], %swap3A_332 {strides = array<i32>} : memref<77x256xf32, #tpu.memory_space<vmem>>, vector<1x16xf32>,
        %get3A_333 = arith.index_cast %scan3A_124 : i32 to index
        %get3A_334 = arith.constant 240 : index
        %get3A_335 = tpu.vector_load %arg7[%get3A_333, %get3A_334] {strides = array<i32>} : memref<80x256xf32, #tpu.memory_space<vmem>>, vector<1x16xf32>,
        %get3A_336 = vector.shape_cast %get3A_335 : vector<1x16xf32> to vector<16xf32>
        %get3A_337 = arith.index_cast %scan3A_124 : i32 to index
        %get3A_338 = arith.constant 240 : index
        %get3A_339 = tpu.vector_load %arg11[%get3A_337, %get3A_338] {strides = array<i32>} : memref<77x256xf32, #tpu.memory_space<vmem>>, vector<1x16xf32>,
        %get3A_340 = vector.shape_cast %get3A_339 : vector<1x16xf32> to vector<16xf32>
        %add3A_341 = arith.addf %get3A_336, %get3A_340 : vector<16xf32>
        %swap3A_342 = arith.index_cast %scan3A_124 : i32 to index
        %swap3A_343 = arith.constant 240 : index
        %swap3A_344 = tpu.vector_load %arg9[%swap3A_342, %swap3A_343] {strides = array<i32>} : memref<77x256xf32, #tpu.memory_space<vmem>>, vector<1x16xf32>,
        %swap3A_345 = vector.shape_cast %swap3A_344 : vector<1x16xf32> to vector<16xf32>
        %swap3A_346 = vector.shape_cast %add3A_341 : vector<16xf32> to vector<1x16xf32>
        tpu.vector_store %arg9[%swap3A_342, %swap3A_343], %swap3A_346 {strides = array<i32>} : memref<77x256xf32, #tpu.memory_space<vmem>>, vector<1x16xf32>,
      }
      %scan3A_84 = arith.constant 77 : i32
      %add3A_85 = arith.addi %mul3A_32, %add3A_64 : i32
      %dma_start3A_86 = arith.constant 0 : i32
      %dma_start3A_87 = tpu.memref_slice %arg5[%add3A_85, %dma_start3A_86, %mul3A_34] : memref<1024x77x1024xf32, #tpu.memory_space<hbm>> -> memref<1x77x256xf32, #tpu.memory_space<hbm>>
      %dma_start3A_88 = tpu.memref_squeeze %dma_start3A_87 : memref<1x77x256xf32, #tpu.memory_space<hbm>> -> memref<77x256xf32, #tpu.memory_space<hbm>>
      %dma_start3A_89 = arith.constant 0 : i32
      %dma_start3A_90 = tpu.memref_slice %arg5[%add3A_85, %dma_start3A_89, %mul3A_34] : memref<1024x77x1024xf32, #tpu.memory_space<hbm>> -> memref<1x77x256xf32, #tpu.memory_space<hbm>>
      %dma_start3A_91 = tpu.memref_squeeze %dma_start3A_90 : memref<1x77x256xf32, #tpu.memory_space<hbm>> -> memref<77x256xf32, #tpu.memory_space<hbm>>
      tpu.enqueue_dma source(%arg9 : memref<77x256xf32, #tpu.memory_space<vmem>>) target(%dma_start3A_91 : memref<77x256xf32, #tpu.memory_space<hbm>>) target_semaphore(%arg14 : memref<!tpu.dma_semaphore, #tpu.memory_space<semaphore_mem>>)
      %mul3A_92 = arith.constant 2 : i32
      %mul3A_93 = arith.muli %mul3A_92, %scan3A_60 : i32
      %add3A_94 = arith.constant 1 : i32
      %add3A_95 = arith.addi %mul3A_93, %add3A_94 : i32
      %lt3A_96 = arith.constant 63 : i32
      %lt3A_97 = arith.cmpi slt, %scan3A_60, %lt3A_96 : i32
      %convert_element_type3A_98 = arith.extui %lt3A_97 : i1 to i32
      %cond3A_99 = arith.constant 0 : i32
      %cond3A_100 = arith.cmpi ne, %convert_element_type3A_98, %cond3A_99 : i32
      scf.if %cond3A_100 {
        %add3A_124 = arith.constant 1 : i32
        %add3A_125 = arith.addi %add3A_95, %add3A_124 : i32
        %mul3A_126 = arith.constant 80 : i32
        %mul3A_127 = arith.muli %add3A_125, %mul3A_126 : i32
        %dma_start3A_128 = tpu.memref_slice %arg6[%mul3A_127] : memref<10240xi32, #tpu.memory_space<vmem>> -> memref<80xi32, #tpu.memory_space<vmem>>
        %dma_start3A_129 = arith.constant 0 : i32
        %dma_start3A_130 = tpu.memref_slice %arg3[%dma_start3A_129, %mul3A_34] : memref<49408x1024xf32, #tpu.memory_space<hbm>> -> memref<49408x256xf32, #tpu.memory_space<hbm>>
        tpu.enqueue_indirect_dma source(%dma_start3A_130 : memref<49408x256xf32, #tpu.memory_space<hbm>>) target(%arg7 : memref<80x256xf32, #tpu.memory_space<vmem>>) offsets(%dma_start3A_128 : memref<80xi32, #tpu.memory_space<vmem>>) semaphore(%arg12 : memref<!tpu.dma_semaphore, #tpu.memory_space<semaphore_mem>>)
      } else {
      }
      %mul3A_101 = arith.constant 80 : i32
      %mul3A_102 = arith.muli %add3A_95, %mul3A_101 : i32
      %dma_wait3A_103 = tpu.memref_slice %arg6[%mul3A_102] : memref<10240xi32, #tpu.memory_space<vmem>> -> memref<80xi32, #tpu.memory_space<vmem>>
      %dma_wait3A_104 = arith.constant 0 : i32
      %dma_wait3A_105 = tpu.memref_slice %arg3[%dma_wait3A_104, %mul3A_34] : memref<49408x1024xf32, #tpu.memory_space<hbm>> -> memref<49408x256xf32, #tpu.memory_space<hbm>>
      tpu.wait_indirect_dma semaphore(%arg13 : memref<!tpu.dma_semaphore, #tpu.memory_space<semaphore_mem>>) src(%dma_wait3A_105 : memref<49408x256xf32, #tpu.memory_space<hbm>>) dst(%arg8 : memref<80x256xf32, #tpu.memory_space<vmem>>)
      %gt3A_106 = arith.constant 0 : i32
      %gt3A_107 = arith.cmpi sgt, %scan3A_60, %gt3A_106 : i32
      %convert_element_type3A_108 = arith.extui %gt3A_107 : i1 to i32
      %cond3A_109 = arith.constant 0 : i32
      %cond3A_110 = arith.cmpi ne, %convert_element_type3A_108, %cond3A_109 : i32
      scf.if %cond3A_110 {
        %sub3A_124 = arith.constant 2 : i32
        %sub3A_125 = arith.subi %add3A_95, %sub3A_124 : i32
        %add3A_126 = arith.addi %mul3A_32, %sub3A_125 : i32
        %dma_wait3A_127 = arith.constant 0 : i32
        %dma_wait3A_128 = tpu.memref_slice %arg5[%add3A_126, %dma_wait3A_127, %mul3A_34] : memref<1024x77x1024xf32, #tpu.memory_space<hbm>> -> memref<1x77x256xf32, #tpu.memory_space<hbm>>
        %dma_wait3A_129 = tpu.memref_squeeze %dma_wait3A_128 : memref<1x77x256xf32, #tpu.memory_space<hbm>> -> memref<77x256xf32, #tpu.memory_space<hbm>>
        %dma_wait3A_130 = arith.constant 0 : i32
        %dma_wait3A_131 = tpu.memref_slice %arg5[%add3A_126, %dma_wait3A_130, %mul3A_34] : memref<1024x77x1024xf32, #tpu.memory_space<hbm>> -> memref<1x77x256xf32, #tpu.memory_space<hbm>>
        %dma_wait3A_132 = tpu.memref_squeeze %dma_wait3A_131 : memref<1x77x256xf32, #tpu.memory_space<hbm>> -> memref<77x256xf32, #tpu.memory_space<hbm>>
        tpu.wait_dma2 semaphore(%arg15 : memref<!tpu.dma_semaphore, #tpu.memory_space<semaphore_mem>>) src(%arg10 : memref<77x256xf32, #tpu.memory_space<vmem>>) dst(%dma_wait3A_132 : memref<77x256xf32, #tpu.memory_space<hbm>>)
      } else {
      }
      %scan3A_111 = arith.constant 0 : i32
      %scan3A_112 = arith.constant 0 : i32
      %scan3A_113 = arith.constant 77 : i32
      %scan3A_114 = arith.addi %scan3A_112, %scan3A_113 : i32
      %scan3A_115 = arith.constant 1 : i32
      scf.for %scan3A_124 = %scan3A_112 to %scan3A_114 step %scan3A_115  : i32 {
        %get3A = arith.index_cast %scan3A_124 : i32 to index
        %get3A_125 = arith.constant 0 : index
        %get3A_126 = tpu.vector_load %arg8[%get3A, %get3A_125] {strides = array<i32>} : memref<80x256xf32, #tpu.memory_space<vmem>>, vector<1x16xf32>,
        %get3A_127 = vector.shape_cast %get3A_126 : vector<1x16xf32> to vector<16xf32>
        %get3A_128 = arith.index_cast %scan3A_124 : i32 to index
        %get3A_129 = arith.constant 0 : index
        %get3A_130 = tpu.vector_load %arg11[%get3A_128, %get3A_129] {strides = array<i32>} : memref<77x256xf32, #tpu.memory_space<vmem>>, vector<1x16xf32>,
        %get3A_131 = vector.shape_cast %get3A_130 : vector<1x16xf32> to vector<16xf32>
        %add3A_132 = arith.addf %get3A_127, %get3A_131 : vector<16xf32>
        %swap3A = arith.index_cast %scan3A_124 : i32 to index
        %swap3A_133 = arith.constant 0 : index
        %swap3A_134 = tpu.vector_load %arg10[%swap3A, %swap3A_133] {strides = array<i32>} : memref<77x256xf32, #tpu.memory_space<vmem>>, vector<1x16xf32>,
        %swap3A_135 = vector.shape_cast %swap3A_134 : vector<1x16xf32> to vector<16xf32>
        %swap3A_136 = vector.shape_cast %add3A_132 : vector<16xf32> to vector<1x16xf32>
        tpu.vector_store %arg10[%swap3A, %swap3A_133], %swap3A_136 {strides = array<i32>} : memref<77x256xf32, #tpu.memory_space<vmem>>, vector<1x16xf32>,
        %get3A_137 = arith.index_cast %scan3A_124 : i32 to index
        %get3A_138 = arith.constant 16 : index
        %get3A_139 = tpu.vector_load %arg8[%get3A_137, %get3A_138] {strides = array<i32>} : memref<80x256xf32, #tpu.memory_space<vmem>>, vector<1x16xf32>,
        %get3A_140 = vector.shape_cast %get3A_139 : vector<1x16xf32> to vector<16xf32>
        %get3A_141 = arith.index_cast %scan3A_124 : i32 to index
        %get3A_142 = arith.constant 16 : index
        %get3A_143 = tpu.vector_load %arg11[%get3A_141, %get3A_142] {strides = array<i32>} : memref<77x256xf32, #tpu.memory_space<vmem>>, vector<1x16xf32>,
        %get3A_144 = vector.shape_cast %get3A_143 : vector<1x16xf32> to vector<16xf32>
        %add3A_145 = arith.addf %get3A_140, %get3A_144 : vector<16xf32>
        %swap3A_146 = arith.index_cast %scan3A_124 : i32 to index
        %swap3A_147 = arith.constant 16 : index
        %swap3A_148 = tpu.vector_load %arg10[%swap3A_146, %swap3A_147] {strides = array<i32>} : memref<77x256xf32, #tpu.memory_space<vmem>>, vector<1x16xf32>,
        %swap3A_149 = vector.shape_cast %swap3A_148 : vector<1x16xf32> to vector<16xf32>
        %swap3A_150 = vector.shape_cast %add3A_145 : vector<16xf32> to vector<1x16xf32>
        tpu.vector_store %arg10[%swap3A_146, %swap3A_147], %swap3A_150 {strides = array<i32>} : memref<77x256xf32, #tpu.memory_space<vmem>>, vector<1x16xf32>,
        %get3A_151 = arith.index_cast %scan3A_124 : i32 to index
        %get3A_152 = arith.constant 32 : index
        %get3A_153 = tpu.vector_load %arg8[%get3A_151, %get3A_152] {strides = array<i32>} : memref<80x256xf32, #tpu.memory_space<vmem>>, vector<1x16xf32>,
        %get3A_154 = vector.shape_cast %get3A_153 : vector<1x16xf32> to vector<16xf32>
        %get3A_155 = arith.index_cast %scan3A_124 : i32 to index
        %get3A_156 = arith.constant 32 : index
        %get3A_157 = tpu.vector_load %arg11[%get3A_155, %get3A_156] {strides = array<i32>} : memref<77x256xf32, #tpu.memory_space<vmem>>, vector<1x16xf32>,
        %get3A_158 = vector.shape_cast %get3A_157 : vector<1x16xf32> to vector<16xf32>
        %add3A_159 = arith.addf %get3A_154, %get3A_158 : vector<16xf32>
        %swap3A_160 = arith.index_cast %scan3A_124 : i32 to index
        %swap3A_161 = arith.constant 32 : index
        %swap3A_162 = tpu.vector_load %arg10[%swap3A_160, %swap3A_161] {strides = array<i32>} : memref<77x256xf32, #tpu.memory_space<vmem>>, vector<1x16xf32>,
        %swap3A_163 = vector.shape_cast %swap3A_162 : vector<1x16xf32> to vector<16xf32>
        %swap3A_164 = vector.shape_cast %add3A_159 : vector<16xf32> to vector<1x16xf32>
        tpu.vector_store %arg10[%swap3A_160, %swap3A_161], %swap3A_164 {strides = array<i32>} : memref<77x256xf32, #tpu.memory_space<vmem>>, vector<1x16xf32>,
        %get3A_165 = arith.index_cast %scan3A_124 : i32 to index
        %get3A_166 = arith.constant 48 : index
        %get3A_167 = tpu.vector_load %arg8[%get3A_165, %get3A_166] {strides = array<i32>} : memref<80x256xf32, #tpu.memory_space<vmem>>, vector<1x16xf32>,
        %get3A_168 = vector.shape_cast %get3A_167 : vector<1x16xf32> to vector<16xf32>
        %get3A_169 = arith.index_cast %scan3A_124 : i32 to index
        %get3A_170 = arith.constant 48 : index
        %get3A_171 = tpu.vector_load %arg11[%get3A_169, %get3A_170] {strides = array<i32>} : memref<77x256xf32, #tpu.memory_space<vmem>>, vector<1x16xf32>,
        %get3A_172 = vector.shape_cast %get3A_171 : vector<1x16xf32> to vector<16xf32>
        %add3A_173 = arith.addf %get3A_168, %get3A_172 : vector<16xf32>
        %swap3A_174 = arith.index_cast %scan3A_124 : i32 to index
        %swap3A_175 = arith.constant 48 : index
        %swap3A_176 = tpu.vector_load %arg10[%swap3A_174, %swap3A_175] {strides = array<i32>} : memref<77x256xf32, #tpu.memory_space<vmem>>, vector<1x16xf32>,
        %swap3A_177 = vector.shape_cast %swap3A_176 : vector<1x16xf32> to vector<16xf32>
        %swap3A_178 = vector.shape_cast %add3A_173 : vector<16xf32> to vector<1x16xf32>
        tpu.vector_store %arg10[%swap3A_174, %swap3A_175], %swap3A_178 {strides = array<i32>} : memref<77x256xf32, #tpu.memory_space<vmem>>, vector<1x16xf32>,
        %get3A_179 = arith.index_cast %scan3A_124 : i32 to index
        %get3A_180 = arith.constant 64 : index
        %get3A_181 = tpu.vector_load %arg8[%get3A_179, %get3A_180] {strides = array<i32>} : memref<80x256xf32, #tpu.memory_space<vmem>>, vector<1x16xf32>,
        %get3A_182 = vector.shape_cast %get3A_181 : vector<1x16xf32> to vector<16xf32>
        %get3A_183 = arith.index_cast %scan3A_124 : i32 to index
        %get3A_184 = arith.constant 64 : index
        %get3A_185 = tpu.vector_load %arg11[%get3A_183, %get3A_184] {strides = array<i32>} : memref<77x256xf32, #tpu.memory_space<vmem>>, vector<1x16xf32>,
        %get3A_186 = vector.shape_cast %get3A_185 : vector<1x16xf32> to vector<16xf32>
        %add3A_187 = arith.addf %get3A_182, %get3A_186 : vector<16xf32>
        %swap3A_188 = arith.index_cast %scan3A_124 : i32 to index
        %swap3A_189 = arith.constant 64 : index
        %swap3A_190 = tpu.vector_load %arg10[%swap3A_188, %swap3A_189] {strides = array<i32>} : memref<77x256xf32, #tpu.memory_space<vmem>>, vector<1x16xf32>,
        %swap3A_191 = vector.shape_cast %swap3A_190 : vector<1x16xf32> to vector<16xf32>
        %swap3A_192 = vector.shape_cast %add3A_187 : vector<16xf32> to vector<1x16xf32>
        tpu.vector_store %arg10[%swap3A_188, %swap3A_189], %swap3A_192 {strides = array<i32>} : memref<77x256xf32, #tpu.memory_space<vmem>>, vector<1x16xf32>,
        %get3A_193 = arith.index_cast %scan3A_124 : i32 to index
        %get3A_194 = arith.constant 80 : index
        %get3A_195 = tpu.vector_load %arg8[%get3A_193, %get3A_194] {strides = array<i32>} : memref<80x256xf32, #tpu.memory_space<vmem>>, vector<1x16xf32>,
        %get3A_196 = vector.shape_cast %get3A_195 : vector<1x16xf32> to vector<16xf32>
        %get3A_197 = arith.index_cast %scan3A_124 : i32 to index
        %get3A_198 = arith.constant 80 : index
        %get3A_199 = tpu.vector_load %arg11[%get3A_197, %get3A_198] {strides = array<i32>} : memref<77x256xf32, #tpu.memory_space<vmem>>, vector<1x16xf32>,
        %get3A_200 = vector.shape_cast %get3A_199 : vector<1x16xf32> to vector<16xf32>
        %add3A_201 = arith.addf %get3A_196, %get3A_200 : vector<16xf32>
        %swap3A_202 = arith.index_cast %scan3A_124 : i32 to index
        %swap3A_203 = arith.constant 80 : index
        %swap3A_204 = tpu.vector_load %arg10[%swap3A_202, %swap3A_203] {strides = array<i32>} : memref<77x256xf32, #tpu.memory_space<vmem>>, vector<1x16xf32>,
        %swap3A_205 = vector.shape_cast %swap3A_204 : vector<1x16xf32> to vector<16xf32>
        %swap3A_206 = vector.shape_cast %add3A_201 : vector<16xf32> to vector<1x16xf32>
        tpu.vector_store %arg10[%swap3A_202, %swap3A_203], %swap3A_206 {strides = array<i32>} : memref<77x256xf32, #tpu.memory_space<vmem>>, vector<1x16xf32>,
        %get3A_207 = arith.index_cast %scan3A_124 : i32 to index
        %get3A_208 = arith.constant 96 : index
        %get3A_209 = tpu.vector_load %arg8[%get3A_207, %get3A_208] {strides = array<i32>} : memref<80x256xf32, #tpu.memory_space<vmem>>, vector<1x16xf32>,
        %get3A_210 = vector.shape_cast %get3A_209 : vector<1x16xf32> to vector<16xf32>
        %get3A_211 = arith.index_cast %scan3A_124 : i32 to index
        %get3A_212 = arith.constant 96 : index
        %get3A_213 = tpu.vector_load %arg11[%get3A_211, %get3A_212] {strides = array<i32>} : memref<77x256xf32, #tpu.memory_space<vmem>>, vector<1x16xf32>,
        %get3A_214 = vector.shape_cast %get3A_213 : vector<1x16xf32> to vector<16xf32>
        %add3A_215 = arith.addf %get3A_210, %get3A_214 : vector<16xf32>
        %swap3A_216 = arith.index_cast %scan3A_124 : i32 to index
        %swap3A_217 = arith.constant 96 : index
        %swap3A_218 = tpu.vector_load %arg10[%swap3A_216, %swap3A_217] {strides = array<i32>} : memref<77x256xf32, #tpu.memory_space<vmem>>, vector<1x16xf32>,
        %swap3A_219 = vector.shape_cast %swap3A_218 : vector<1x16xf32> to vector<16xf32>
        %swap3A_220 = vector.shape_cast %add3A_215 : vector<16xf32> to vector<1x16xf32>
        tpu.vector_store %arg10[%swap3A_216, %swap3A_217], %swap3A_220 {strides = array<i32>} : memref<77x256xf32, #tpu.memory_space<vmem>>, vector<1x16xf32>,
        %get3A_221 = arith.index_cast %scan3A_124 : i32 to index
        %get3A_222 = arith.constant 112 : index
        %get3A_223 = tpu.vector_load %arg8[%get3A_221, %get3A_222] {strides = array<i32>} : memref<80x256xf32, #tpu.memory_space<vmem>>, vector<1x16xf32>,
        %get3A_224 = vector.shape_cast %get3A_223 : vector<1x16xf32> to vector<16xf32>
        %get3A_225 = arith.index_cast %scan3A_124 : i32 to index
        %get3A_226 = arith.constant 112 : index
        %get3A_227 = tpu.vector_load %arg11[%get3A_225, %get3A_226] {strides = array<i32>} : memref<77x256xf32, #tpu.memory_space<vmem>>, vector<1x16xf32>,
        %get3A_228 = vector.shape_cast %get3A_227 : vector<1x16xf32> to vector<16xf32>
        %add3A_229 = arith.addf %get3A_224, %get3A_228 : vector<16xf32>
        %swap3A_230 = arith.index_cast %scan3A_124 : i32 to index
        %swap3A_231 = arith.constant 112 : index
        %swap3A_232 = tpu.vector_load %arg10[%swap3A_230, %swap3A_231] {strides = array<i32>} : memref<77x256xf32, #tpu.memory_space<vmem>>, vector<1x16xf32>,
        %swap3A_233 = vector.shape_cast %swap3A_232 : vector<1x16xf32> to vector<16xf32>
        %swap3A_234 = vector.shape_cast %add3A_229 : vector<16xf32> to vector<1x16xf32>
        tpu.vector_store %arg10[%swap3A_230, %swap3A_231], %swap3A_234 {strides = array<i32>} : memref<77x256xf32, #tpu.memory_space<vmem>>, vector<1x16xf32>,
        %get3A_235 = arith.index_cast %scan3A_124 : i32 to index
        %get3A_236 = arith.constant 128 : index
        %get3A_237 = tpu.vector_load %arg8[%get3A_235, %get3A_236] {strides = array<i32>} : memref<80x256xf32, #tpu.memory_space<vmem>>, vector<1x16xf32>,
        %get3A_238 = vector.shape_cast %get3A_237 : vector<1x16xf32> to vector<16xf32>
        %get3A_239 = arith.index_cast %scan3A_124 : i32 to index
        %get3A_240 = arith.constant 128 : index
        %get3A_241 = tpu.vector_load %arg11[%get3A_239, %get3A_240] {strides = array<i32>} : memref<77x256xf32, #tpu.memory_space<vmem>>, vector<1x16xf32>,
        %get3A_242 = vector.shape_cast %get3A_241 : vector<1x16xf32> to vector<16xf32>
        %add3A_243 = arith.addf %get3A_238, %get3A_242 : vector<16xf32>
        %swap3A_244 = arith.index_cast %scan3A_124 : i32 to index
        %swap3A_245 = arith.constant 128 : index
        %swap3A_246 = tpu.vector_load %arg10[%swap3A_244, %swap3A_245] {strides = array<i32>} : memref<77x256xf32, #tpu.memory_space<vmem>>, vector<1x16xf32>,
        %swap3A_247 = vector.shape_cast %swap3A_246 : vector<1x16xf32> to vector<16xf32>
        %swap3A_248 = vector.shape_cast %add3A_243 : vector<16xf32> to vector<1x16xf32>
        tpu.vector_store %arg10[%swap3A_244, %swap3A_245], %swap3A_248 {strides = array<i32>} : memref<77x256xf32, #tpu.memory_space<vmem>>, vector<1x16xf32>,
        %get3A_249 = arith.index_cast %scan3A_124 : i32 to index
        %get3A_250 = arith.constant 144 : index
        %get3A_251 = tpu.vector_load %arg8[%get3A_249, %get3A_250] {strides = array<i32>} : memref<80x256xf32, #tpu.memory_space<vmem>>, vector<1x16xf32>,
        %get3A_252 = vector.shape_cast %get3A_251 : vector<1x16xf32> to vector<16xf32>
        %get3A_253 = arith.index_cast %scan3A_124 : i32 to index
        %get3A_254 = arith.constant 144 : index
        %get3A_255 = tpu.vector_load %arg11[%get3A_253, %get3A_254] {strides = array<i32>} : memref<77x256xf32, #tpu.memory_space<vmem>>, vector<1x16xf32>,
        %get3A_256 = vector.shape_cast %get3A_255 : vector<1x16xf32> to vector<16xf32>
        %add3A_257 = arith.addf %get3A_252, %get3A_256 : vector<16xf32>
        %swap3A_258 = arith.index_cast %scan3A_124 : i32 to index
        %swap3A_259 = arith.constant 144 : index
        %swap3A_260 = tpu.vector_load %arg10[%swap3A_258, %swap3A_259] {strides = array<i32>} : memref<77x256xf32, #tpu.memory_space<vmem>>, vector<1x16xf32>,
        %swap3A_261 = vector.shape_cast %swap3A_260 : vector<1x16xf32> to vector<16xf32>
        %swap3A_262 = vector.shape_cast %add3A_257 : vector<16xf32> to vector<1x16xf32>
        tpu.vector_store %arg10[%swap3A_258, %swap3A_259], %swap3A_262 {strides = array<i32>} : memref<77x256xf32, #tpu.memory_space<vmem>>, vector<1x16xf32>,
        %get3A_263 = arith.index_cast %scan3A_124 : i32 to index
        %get3A_264 = arith.constant 160 : index
        %get3A_265 = tpu.vector_load %arg8[%get3A_263, %get3A_264] {strides = array<i32>} : memref<80x256xf32, #tpu.memory_space<vmem>>, vector<1x16xf32>,
        %get3A_266 = vector.shape_cast %get3A_265 : vector<1x16xf32> to vector<16xf32>
        %get3A_267 = arith.index_cast %scan3A_124 : i32 to index
        %get3A_268 = arith.constant 160 : index
        %get3A_269 = tpu.vector_load %arg11[%get3A_267, %get3A_268] {strides = array<i32>} : memref<77x256xf32, #tpu.memory_space<vmem>>, vector<1x16xf32>,
        %get3A_270 = vector.shape_cast %get3A_269 : vector<1x16xf32> to vector<16xf32>
        %add3A_271 = arith.addf %get3A_266, %get3A_270 : vector<16xf32>
        %swap3A_272 = arith.index_cast %scan3A_124 : i32 to index
        %swap3A_273 = arith.constant 160 : index
        %swap3A_274 = tpu.vector_load %arg10[%swap3A_272, %swap3A_273] {strides = array<i32>} : memref<77x256xf32, #tpu.memory_space<vmem>>, vector<1x16xf32>,
        %swap3A_275 = vector.shape_cast %swap3A_274 : vector<1x16xf32> to vector<16xf32>
        %swap3A_276 = vector.shape_cast %add3A_271 : vector<16xf32> to vector<1x16xf32>
        tpu.vector_store %arg10[%swap3A_272, %swap3A_273], %swap3A_276 {strides = array<i32>} : memref<77x256xf32, #tpu.memory_space<vmem>>, vector<1x16xf32>,
        %get3A_277 = arith.index_cast %scan3A_124 : i32 to index
        %get3A_278 = arith.constant 176 : index
        %get3A_279 = tpu.vector_load %arg8[%get3A_277, %get3A_278] {strides = array<i32>} : memref<80x256xf32, #tpu.memory_space<vmem>>, vector<1x16xf32>,
        %get3A_280 = vector.shape_cast %get3A_279 : vector<1x16xf32> to vector<16xf32>
        %get3A_281 = arith.index_cast %scan3A_124 : i32 to index
        %get3A_282 = arith.constant 176 : index
        %get3A_283 = tpu.vector_load %arg11[%get3A_281, %get3A_282] {strides = array<i32>} : memref<77x256xf32, #tpu.memory_space<vmem>>, vector<1x16xf32>,
        %get3A_284 = vector.shape_cast %get3A_283 : vector<1x16xf32> to vector<16xf32>
        %add3A_285 = arith.addf %get3A_280, %get3A_284 : vector<16xf32>
        %swap3A_286 = arith.index_cast %scan3A_124 : i32 to index
        %swap3A_287 = arith.constant 176 : index
        %swap3A_288 = tpu.vector_load %arg10[%swap3A_286, %swap3A_287] {strides = array<i32>} : memref<77x256xf32, #tpu.memory_space<vmem>>, vector<1x16xf32>,
        %swap3A_289 = vector.shape_cast %swap3A_288 : vector<1x16xf32> to vector<16xf32>
        %swap3A_290 = vector.shape_cast %add3A_285 : vector<16xf32> to vector<1x16xf32>
        tpu.vector_store %arg10[%swap3A_286, %swap3A_287], %swap3A_290 {strides = array<i32>} : memref<77x256xf32, #tpu.memory_space<vmem>>, vector<1x16xf32>,
        %get3A_291 = arith.index_cast %scan3A_124 : i32 to index
        %get3A_292 = arith.constant 192 : index
        %get3A_293 = tpu.vector_load %arg8[%get3A_291, %get3A_292] {strides = array<i32>} : memref<80x256xf32, #tpu.memory_space<vmem>>, vector<1x16xf32>,
        %get3A_294 = vector.shape_cast %get3A_293 : vector<1x16xf32> to vector<16xf32>
        %get3A_295 = arith.index_cast %scan3A_124 : i32 to index
        %get3A_296 = arith.constant 192 : index
        %get3A_297 = tpu.vector_load %arg11[%get3A_295, %get3A_296] {strides = array<i32>} : memref<77x256xf32, #tpu.memory_space<vmem>>, vector<1x16xf32>,
        %get3A_298 = vector.shape_cast %get3A_297 : vector<1x16xf32> to vector<16xf32>
        %add3A_299 = arith.addf %get3A_294, %get3A_298 : vector<16xf32>
        %swap3A_300 = arith.index_cast %scan3A_124 : i32 to index
        %swap3A_301 = arith.constant 192 : index
        %swap3A_302 = tpu.vector_load %arg10[%swap3A_300, %swap3A_301] {strides = array<i32>} : memref<77x256xf32, #tpu.memory_space<vmem>>, vector<1x16xf32>,
        %swap3A_303 = vector.shape_cast %swap3A_302 : vector<1x16xf32> to vector<16xf32>
        %swap3A_304 = vector.shape_cast %add3A_299 : vector<16xf32> to vector<1x16xf32>
        tpu.vector_store %arg10[%swap3A_300, %swap3A_301], %swap3A_304 {strides = array<i32>} : memref<77x256xf32, #tpu.memory_space<vmem>>, vector<1x16xf32>,
        %get3A_305 = arith.index_cast %scan3A_124 : i32 to index
        %get3A_306 = arith.constant 208 : index
        %get3A_307 = tpu.vector_load %arg8[%get3A_305, %get3A_306] {strides = array<i32>} : memref<80x256xf32, #tpu.memory_space<vmem>>, vector<1x16xf32>,
        %get3A_308 = vector.shape_cast %get3A_307 : vector<1x16xf32> to vector<16xf32>
        %get3A_309 = arith.index_cast %scan3A_124 : i32 to index
        %get3A_310 = arith.constant 208 : index
        %get3A_311 = tpu.vector_load %arg11[%get3A_309, %get3A_310] {strides = array<i32>} : memref<77x256xf32, #tpu.memory_space<vmem>>, vector<1x16xf32>,
        %get3A_312 = vector.shape_cast %get3A_311 : vector<1x16xf32> to vector<16xf32>
        %add3A_313 = arith.addf %get3A_308, %get3A_312 : vector<16xf32>
        %swap3A_314 = arith.index_cast %scan3A_124 : i32 to index
        %swap3A_315 = arith.constant 208 : index
        %swap3A_316 = tpu.vector_load %arg10[%swap3A_314, %swap3A_315] {strides = array<i32>} : memref<77x256xf32, #tpu.memory_space<vmem>>, vector<1x16xf32>,
        %swap3A_317 = vector.shape_cast %swap3A_316 : vector<1x16xf32> to vector<16xf32>
        %swap3A_318 = vector.shape_cast %add3A_313 : vector<16xf32> to vector<1x16xf32>
        tpu.vector_store %arg10[%swap3A_314, %swap3A_315], %swap3A_318 {strides = array<i32>} : memref<77x256xf32, #tpu.memory_space<vmem>>, vector<1x16xf32>,
        %get3A_319 = arith.index_cast %scan3A_124 : i32 to index
        %get3A_320 = arith.constant 224 : index
        %get3A_321 = tpu.vector_load %arg8[%get3A_319, %get3A_320] {strides = array<i32>} : memref<80x256xf32, #tpu.memory_space<vmem>>, vector<1x16xf32>,
        %get3A_322 = vector.shape_cast %get3A_321 : vector<1x16xf32> to vector<16xf32>
        %get3A_323 = arith.index_cast %scan3A_124 : i32 to index
        %get3A_324 = arith.constant 224 : index
        %get3A_325 = tpu.vector_load %arg11[%get3A_323, %get3A_324] {strides = array<i32>} : memref<77x256xf32, #tpu.memory_space<vmem>>, vector<1x16xf32>,
        %get3A_326 = vector.shape_cast %get3A_325 : vector<1x16xf32> to vector<16xf32>
        %add3A_327 = arith.addf %get3A_322, %get3A_326 : vector<16xf32>
        %swap3A_328 = arith.index_cast %scan3A_124 : i32 to index
        %swap3A_329 = arith.constant 224 : index
        %swap3A_330 = tpu.vector_load %arg10[%swap3A_328, %swap3A_329] {strides = array<i32>} : memref<77x256xf32, #tpu.memory_space<vmem>>, vector<1x16xf32>,
        %swap3A_331 = vector.shape_cast %swap3A_330 : vector<1x16xf32> to vector<16xf32>
        %swap3A_332 = vector.shape_cast %add3A_327 : vector<16xf32> to vector<1x16xf32>
        tpu.vector_store %arg10[%swap3A_328, %swap3A_329], %swap3A_332 {strides = array<i32>} : memref<77x256xf32, #tpu.memory_space<vmem>>, vector<1x16xf32>,
        %get3A_333 = arith.index_cast %scan3A_124 : i32 to index
        %get3A_334 = arith.constant 240 : index
        %get3A_335 = tpu.vector_load %arg8[%get3A_333, %get3A_334] {strides = array<i32>} : memref<80x256xf32, #tpu.memory_space<vmem>>, vector<1x16xf32>,
        %get3A_336 = vector.shape_cast %get3A_335 : vector<1x16xf32> to vector<16xf32>
        %get3A_337 = arith.index_cast %scan3A_124 : i32 to index
        %get3A_338 = arith.constant 240 : index
        %get3A_339 = tpu.vector_load %arg11[%get3A_337, %get3A_338] {strides = array<i32>} : memref<77x256xf32, #tpu.memory_space<vmem>>, vector<1x16xf32>,
        %get3A_340 = vector.shape_cast %get3A_339 : vector<1x16xf32> to vector<16xf32>
        %add3A_341 = arith.addf %get3A_336, %get3A_340 : vector<16xf32>
        %swap3A_342 = arith.index_cast %scan3A_124 : i32 to index
        %swap3A_343 = arith.constant 240 : index
        %swap3A_344 = tpu.vector_load %arg10[%swap3A_342, %swap3A_343] {strides = array<i32>} : memref<77x256xf32, #tpu.memory_space<vmem>>, vector<1x16xf32>,
        %swap3A_345 = vector.shape_cast %swap3A_344 : vector<1x16xf32> to vector<16xf32>
        %swap3A_346 = vector.shape_cast %add3A_341 : vector<16xf32> to vector<1x16xf32>
        tpu.vector_store %arg10[%swap3A_342, %swap3A_343], %swap3A_346 {strides = array<i32>} : memref<77x256xf32, #tpu.memory_space<vmem>>, vector<1x16xf32>,
      }
      %scan3A_116 = arith.constant 77 : i32
      %add3A_117 = arith.addi %mul3A_32, %add3A_95 : i32
      %dma_start3A_118 = arith.constant 0 : i32
      %dma_start3A_119 = tpu.memref_slice %arg5[%add3A_117, %dma_start3A_118, %mul3A_34] : memref<1024x77x1024xf32, #tpu.memory_space<hbm>> -> memref<1x77x256xf32, #tpu.memory_space<hbm>>
      %dma_start3A_120 = tpu.memref_squeeze %dma_start3A_119 : memref<1x77x256xf32, #tpu.memory_space<hbm>> -> memref<77x256xf32, #tpu.memory_space<hbm>>
      %dma_start3A_121 = arith.constant 0 : i32
      %dma_start3A_122 = tpu.memref_slice %arg5[%add3A_117, %dma_start3A_121, %mul3A_34] : memref<1024x77x1024xf32, #tpu.memory_space<hbm>> -> memref<1x77x256xf32, #tpu.memory_space<hbm>>
      %dma_start3A_123 = tpu.memref_squeeze %dma_start3A_122 : memref<1x77x256xf32, #tpu.memory_space<hbm>> -> memref<77x256xf32, #tpu.memory_space<hbm>>
      tpu.enqueue_dma source(%arg10 : memref<77x256xf32, #tpu.memory_space<vmem>>) target(%dma_start3A_123 : memref<77x256xf32, #tpu.memory_space<hbm>>) target_semaphore(%arg15 : memref<!tpu.dma_semaphore, #tpu.memory_space<semaphore_mem>>)
    }
    %scan3A_44 = arith.constant 64 : i32
    %add3A_45 = arith.constant 126 : i32
    %add3A_46 = arith.addi %mul3A_32, %add3A_45 : i32
    %dma_wait3A = arith.constant 0 : i32
    %dma_wait3A_47 = tpu.memref_slice %arg5[%add3A_46, %dma_wait3A, %mul3A_34] : memref<1024x77x1024xf32, #tpu.memory_space<hbm>> -> memref<1x77x256xf32, #tpu.memory_space<hbm>>
    %dma_wait3A_48 = tpu.memref_squeeze %dma_wait3A_47 : memref<1x77x256xf32, #tpu.memory_space<hbm>> -> memref<77x256xf32, #tpu.memory_space<hbm>>
    %dma_wait3A_49 = arith.constant 0 : i32
    %dma_wait3A_50 = tpu.memref_slice %arg5[%add3A_46, %dma_wait3A_49, %mul3A_34] : memref<1024x77x1024xf32, #tpu.memory_space<hbm>> -> memref<1x77x256xf32, #tpu.memory_space<hbm>>
    %dma_wait3A_51 = tpu.memref_squeeze %dma_wait3A_50 : memref<1x77x256xf32, #tpu.memory_space<hbm>> -> memref<77x256xf32, #tpu.memory_space<hbm>>
    tpu.wait_dma2 semaphore(%arg14 : memref<!tpu.dma_semaphore, #tpu.memory_space<semaphore_mem>>) src(%arg9 : memref<77x256xf32, #tpu.memory_space<vmem>>) dst(%dma_wait3A_51 : memref<77x256xf32, #tpu.memory_space<hbm>>)
    %add3A_52 = arith.constant 127 : i32
    %add3A_53 = arith.addi %mul3A_32, %add3A_52 : i32
    %dma_wait3A_54 = arith.constant 0 : i32
    %dma_wait3A_55 = tpu.memref_slice %arg5[%add3A_53, %dma_wait3A_54, %mul3A_34] : memref<1024x77x1024xf32, #tpu.memory_space<hbm>> -> memref<1x77x256xf32, #tpu.memory_space<hbm>>
    %dma_wait3A_56 = tpu.memref_squeeze %dma_wait3A_55 : memref<1x77x256xf32, #tpu.memory_space<hbm>> -> memref<77x256xf32, #tpu.memory_space<hbm>>
    %dma_wait3A_57 = arith.constant 0 : i32
    %dma_wait3A_58 = tpu.memref_slice %arg5[%add3A_53, %dma_wait3A_57, %mul3A_34] : memref<1024x77x1024xf32, #tpu.memory_space<hbm>> -> memref<1x77x256xf32, #tpu.memory_space<hbm>>
    %dma_wait3A_59 = tpu.memref_squeeze %dma_wait3A_58 : memref<1x77x256xf32, #tpu.memory_space<hbm>> -> memref<77x256xf32, #tpu.memory_space<hbm>>
    tpu.wait_dma2 semaphore(%arg15 : memref<!tpu.dma_semaphore, #tpu.memory_space<semaphore_mem>>) src(%arg10 : memref<77x256xf32, #tpu.memory_space<vmem>>) dst(%dma_wait3A_59 : memref<77x256xf32, #tpu.memory_space<hbm>>)
    return
  }
}

</mosaic_0001>

<sc_bundles>
// kernel: kernel.3.cloned.1.call-start
scs
__scs_entry_jumppad:
0x0: {  	(pc) =	sbr.rel $0x88, $3  }
0x1: {  	(tag) =	ssettag $0x0;
	lr =	simm.s32 $0x1  }
0x2: {  	[smem:$0x3F9E] =	sst lr;
	_ =	strace $0xD0000000  }
0x3: {  	_ = 	snop  }
0x4: {  	_ = 	snop  }
0x5: {  	_ = 	snop  }
0x6: {  	_ = 	snop  }
0x7: {  	_ = 	snop  }
__scs_overlays_trampoline_lowered:
0x8: {  	[smem:$0x3FAD] =	sst s0  }
0x9: {  	[smem:$0x3FAE] =	sst s1  }
0xa: {  	[smem:$0x3FAF] =	sst s2  }
0xb: {  	[smem:$0x3FB0] =	sst s3  }
0xc: {  	[smem:$0x3FB1] =	sst s4  }
0xd: {  	[smem:$0x3FB2] =	sst s5  }
0xe: {  	[smem:$0x3FB3] =	sst s6  }
0xf: {  	[smem:$0x3FB4] =	sst s7  }
0x10: {  	[smem:$0x3FB5] =	sst s8  }
0x11: {  	[smem:$0x3FB6] =	sst s9;
	s0 =	simm.s32 @!p0 $0x0  }
0x12: {  	s1 =	sld [smem:$0x3F9C];
	s0 =	simm.s32 @p0 $0x1  }
0x13: {  	[smem:$0x3FB7] =	sst s0;
	s0 =	simm.s32 @!p1 $0x0  }
0x14: {  	s2 =	sld [smem:$0x3F9B];
	s0 =	simm.s32 @p1 $0x1  }
0x15: {  	[smem:$0x3FB8] =	sst s0;
	s0 =	simm.s32 @!p2 $0x0  }
0x16: {  	s3 =	sld [smem:$0x3FDB];
	s0 =	simm.s32 @p2 $0x1  }
0x17: {  	s4 =	simm.s32 $0x1BF5;
	[smem:$0x3FBA] =	sst s0  }
0x18: {  	s0 =	sld [smem:$0x3F9D];
	_ =	swait.ge [sflag:s4], $0x0  }
0x19: {  	s7 =	sld [smem:$0x3F9E]  }
0x1a: {  	s8 =	sadd.s32 $0xFFFFE003, lr  }
0x1b: {  	s9 =	sadd.s32 $0xFFFFFEF7, lr;
	s5 =	simm.s32 $0xFFFFFFFF;
	p2 =	slt.u32 s8, $0xFFFFF086  }
0x1c: {  	p1 =	slt.u32 s9, $0xF7A;
	s5 =	simm.s32 @!p2 $0x0  }
0x1d: {  	s5 =	simm.s32 @p1 $0x1;
	p0 =	seq.s32 s7, s2  }
0x1e: {  	s7 =	smul.u32 @!p0 $0xF7A, s2;
	p2 =	seq.s32 @!p0 s5, $0x0  }
0x1f: {  	s9 =	smul.u32 $0xF7A, s1;
	s8 =	simm.s32 @!p0 $0x1BF5;
	p2 =	por !p2, p0  }
0x20: {  	[sflag:s8] =	ssyncset.s32 @!p0 $0xFFFFF086;
	s6 =	sadd.s32 @!p0 s3, s7;
	s7 =	simm.s32 @!p0 $0x108  }
0x21: {  	s3 =	sadd.s32 s3, s9;
	s6 =	sadd.s32 @!p0 $0x88, s6;
	s7 =	simm.s32 @p2 $0x1082  }
0x22: {  	[simem:s7], [sflag:s8] =	dma.local @!p0 [hbm:s6], $0xF7A  }
0x23: {  	s9 =	sor.u32 $0xD0000000, s2;
	s6 =	simm.s32 $0x108;
	_ =	swait.ge @!p0 [sflag:s8], $0x0  }
0x24: {  	s3 =	sadd.s32 $0x88, s3;
	s6 =	simm.s32 @!p1 $0x1082;
	[sflag:s4] =	ssyncset.s32 $0xFFFFF086  }
0x25: {  	[simem:s6], [sflag:s4] =	dma.local [hbm:s3], $0xF7A  }
0x26: {  	[smem:$0x3F9E] =	sst s1;
	(tag) =	ssettag s2;
	_ =	strace s9  }
0x27: {  	s1 =	sld [smem:$0x3FAE]  }
0x28: {  	s2 =	sld [smem:$0x3FAF]  }
0x29: {  	s4 =	sld [smem:$0x3FB1]  }
0x2a: {  	p0 =	seq.s32 s5, $0x0;
	s5 =	sld [smem:$0x3FB2]  }
0x2b: {  	s6 =	sld [smem:$0x3FB3]  }
0x2c: {  	s7 =	sld [smem:$0x3FB4]  }
0x2d: {  	s3 =	simm.s32 $0x108;
	s8 =	sld [smem:$0x3FB5]  }
0x2e: {  	s3 =	simm.s32 @!p0 $0x1082;
	s9 =	sld [smem:$0x3FB6]  }
0x2f: {  	lr =	sadd.s32 s0, s3;
	s0 =	sld [smem:$0x3FAD]  }
0x30: {  	s3 =	sld [smem:$0x3FB0]  }
0x31: {  	[smem:$0x3FB9] =	sst s10  }
0x32: {  	s10 =	sld [smem:$0x3FB7];
	_ =	sdelay $0x3  }
0x33: {  	p0 =	seq.s32 s10, $0x1;
	s10 =	sld [smem:$0x3FB9];
	_ =	sdelay $0x3  }
0x34: {  	[smem:$0x3FB9] =	sst s10  }
0x35: {  	s10 =	sld [smem:$0x3FB8];
	_ =	sdelay $0x3  }
0x36: {  	p1 =	seq.s32 s10, $0x1;
	s10 =	sld [smem:$0x3FB9];
	_ =	sdelay $0x3  }
0x37: {  	[smem:$0x3FB9] =	sst s10  }
0x38: {  	s10 =	sld [smem:$0x3FBA]  }
0x39: {  	_ = 	snop;
	(pc) =	sbr.ind lr, $3  }
0x3a: {  	_ = 	snop  }
0x3b: {  	_ = 	snop  }
0x3c: {  	p2 =	seq.s32 s10, $0x1;
	s10 =	sld [smem:$0x3FB9]  }
0x3d: {  	_ =	shalt  }
0x3e: {  	_ =	shalt  }
0x3f: {  	_ =	shalt  }
0x40: {  	_ =	shalt  }
0x41: {  	_ =	shalt  }
0x42: {  	_ =	shalt  }
0x43: {  	_ =	shalt  }
0x44: {  	_ =	shalt  }
0x45: {  	_ =	shalt  }
0x46: {  	_ =	shalt  }
0x47: {  	_ =	shalt  }
0x48: {  	_ =	shalt  }
0x49: {  	_ =	shalt  }
0x4a: {  	_ =	shalt  }
0x4b: {  	_ =	shalt  }
0x4c: {  	_ =	shalt  }
0x4d: {  	_ =	shalt  }
0x4e: {  	_ =	shalt  }
0x4f: {  	_ =	shalt  }
0x50: {  	_ =	shalt  }
0x51: {  	_ =	shalt  }
0x52: {  	_ =	shalt  }
0x53: {  	_ =	shalt  }
0x54: {  	_ =	shalt  }
0x55: {  	_ =	shalt  }
0x56: {  	_ =	shalt  }
0x57: {  	_ =	shalt  }
0x58: {  	_ =	shalt  }
0x59: {  	_ =	shalt  }
0x5a: {  	_ =	shalt  }
0x5b: {  	_ =	shalt  }
0x5c: {  	_ =	shalt  }
0x5d: {  	_ =	shalt  }
0x5e: {  	_ =	shalt  }
0x5f: {  	_ =	shalt  }
0x60: {  	_ =	shalt  }
0x61: {  	_ =	shalt  }
0x62: {  	_ =	shalt  }
0x63: {  	_ =	shalt  }
0x64: {  	_ =	shalt  }
0x65: {  	_ =	shalt  }
0x66: {  	_ =	shalt  }
0x67: {  	_ =	shalt  }
0x68: {  	_ =	shalt  }
0x69: {  	_ =	shalt  }
0x6a: {  	_ =	shalt  }
0x6b: {  	_ =	shalt  }
0x6c: {  	_ =	shalt  }
0x6d: {  	_ =	shalt  }
0x6e: {  	_ =	shalt  }
0x6f: {  	_ =	shalt  }
0x70: {  	_ =	shalt  }
0x71: {  	_ =	shalt  }
0x72: {  	_ =	shalt  }
0x73: {  	_ =	shalt  }
0x74: {  	_ =	shalt  }
0x75: {  	_ =	shalt  }
0x76: {  	_ =	shalt  }
0x77: {  	_ =	shalt  }
0x78: {  	_ =	shalt  }
0x79: {  	_ =	shalt  }
0x7a: {  	_ =	shalt  }
0x7b: {  	_ =	shalt  }
0x7c: {  	_ =	shalt  }
0x7d: {  	_ =	shalt  }
0x7e: {  	_ =	shalt  }
0x7f: {  	_ =	shalt  }
0x80: {  	_ =	shalt  }
0x81: {  	_ =	shalt  }
0x82: {  	_ =	shalt  }
0x83: {  	_ =	shalt  }
0x84: {  	_ =	shalt  }
0x85: {  	_ =	shalt  }
0x86: {  	_ =	shalt  }
0x87: {  	_ =	shalt  }
.Lfunc_end0:
.L_simem_size_0:
called_computation_lowered:
.L_overlay_start_0:
0x88: {  	s2 =	sld [smem:$0x3FD9]  }
0x89: {  	s3 =	sld [smem:$0x3FFE];
	_ =	sdelay $0x1  }
0x8a: {  	s1 =	srdreg.scid  }
0x8b: {  	s0 =	sand.u32 $0x1, s1  }
0x8c: {  	s17 =	sshll.u32 s0, $0xA;
	s2 =	sadd.s32 s3, s2  }
0x8d: {  	s2 =	sadd.s32 s2, s17  }
0x8e: {  	[smem:$0x3FC5] =	sst s2  }
0x8f: {  	_ = 	snop  }
0x90: {  	s2 =	sld [smem:$0x3FC8]  }
0x91: {  	s18 =	sld [smem:$0x3FC7]  }
0x92: {  	s4 =	sld [smem:$0x3FD0];
	(tm) =	ssettm $0x1  }
0x93: {  	s5 =	sld [smem:$0x3FFB];
	_ =	sdelay $0x3  }
0x94: {  	_ =	strace s5  }
0x95: {  	s5 =	sld [smem:$0x3FFC];
	_ =	sdelay $0x3  }
0x96: {  	_ =	strace s5  }
0x97: {  	s5 =	sld [smem:$0x3FFD];
	_ =	sdelay $0x3  }
0x98: {  	_ =	strace s5  }
0x99: {  	_ =	strace $0x8FFFFFFF  }
0x9a: {  	s19 =	sld [smem:$0x3FDB];
	_ =	sdelay $0x1  }
0x9b: {  	s6 =	simm.s32 $_scs_section_size  }
0x9c: {  	s7 =	simm.s32 $_size__tile_overlayer_lowered;
	s8 =	simm.s32 $_tile_overlayer_lowered  }
0x9d: {  	s22 =	simm.s32 $0x1BFF;
	s21 =	sshll.u32 s8, $0x1;
	s5 =	sadd.s32 s6, s19  }
0x9e: {  	s9 =	simm.s32 $0x0;
	s20 =	sshll.u32 s7, $0x1;
	s7 =	sadd.s32 s21, s5  }
0x9f: {  	[timem:s9], [sflag:s22] =	dma.local [hbm:s7], s20  }
0xa0: {  	_ =	swait.ge [sflag:s22], s20  }
0xa1: {  	s6 =	ssub.s32 $0x0, s20;
	[sflag:s22] =	ssyncset.done $0x0  }
0xa2: {  	[sflag:s22] =	ssyncadd.s32 s6;
	_ =	sdelay $0x1  }
0xa3: {  	s23 =	simm.s32 $0x1B8B  }
0xa4: {  	_ =	swait.ge [sflag:s23], $0x1  }
0xa5: {  	[sflag:s23] =	ssyncset.done $0x0  }
0xa6: {  	s25 =	simm.s32 $0x1B8E;
	s24 =	sld [smem:$0x3FFE];
	[sflag:s23] =	ssyncadd.s32 $0xFFFFFFFF  }
0xa7: {  	s26 =	simm.s32 $execute0_lowered;
	[smem:$0x3FD2] =	sst s25  }
0xa8: {  	s7 =	sshll.u32 s26, $0x1;
	_ =	strace $0x80000046;
	[dreg:$0x1] =	wrdreg $0xFFFFFFFF  }
0xa9: {  	s28 =	simm.s32 $_size_execute0_lowered;
	s5 =	sadd.s32 s5, s7;
	[dreg:$0x0] =	wrdreg $0x0  }
0xaa: {  	s7 =	sshll.u32 s28, $0x1;
	[dreg:$0x2] =	wrdreg s5  }
0xab: {  	[dreg:$0x3] =	wrdreg s7  }
0xac: {  	[dreg:$0x4] =	wrdreg $0xC0  }
0xad: {  	_ =	task [dreg:s9], $0x5FFFF  }
0xae: {  	[dreg:$0x1] =	wrdreg $0xFFFFFFFF  }
0xaf: {  	[dreg:$0x0] =	wrdreg $0x60  }
0xb0: {  	[dreg:$0x2] =	wrdreg s4  }
0xb1: {  	[dreg:$0x3] =	wrdreg s2  }
0xb2: {  	[dreg:$0x4] =	wrdreg s18  }
0xb3: {  	[dreg:$0x5] =	wrdreg s24  }
0xb4: {  	[dreg:$0x6] =	wrdreg $0x9  }
0xb5: {  	_ =	task.clear_ibuf [dreg:s9], $0x7FFFF;
	_ =	strace $0x90000046  }
0xb6: {  	s29 =	simm.s32 $0x9;
	_ =	strace $0x80000048  }
0xb7: {  	_ =	swait.ge [sflag:s29], $0x1  }
0xb8: {  	[sflag:s29] =	ssyncadd.s32 $0xFFFFFFFF  }
0xb9: {  	_ =	strace $0x90000048  }
0xba: {  	_ =	sfence  }
0xbb: {  	s30 =	sld [smem:$0x0];
	_ =	sdelay $0x2  }
0xbc: {  	s31 =	sshll.u32 s1, $0xD;
	s1 =	sshrl.u32 s1, $0x2  }
0xbd: {  	s3 =	sand.u32 $0x4000, s31;
	s1 =	sadd.s32 s1, s30  }
0xbe: {  	s0 =	sor.u32 s3, s0;
	s1 =	sshll.u32 s1, $0x11  }
0xbf: {  	s0 =	sor.u32 s1, s0  }
0xc0: {  	s0 =	sadd.s32 $0x8F2B, s0  }
0xc1: {  	[sflag:s0] =	ssyncadd.remote.s32 $0x1  }
0xc2: {  	_ =	sfence.sel $0xFFFF  }
0xc3: {  	[dreg:$0x0] =	wrdreg $0xFFFFFFFF;
	(pc) =	sbr.abs _section_cstart, $3  }
0xc4: {  	[dreg:$0x1] =	wrdreg $0xFFFFFFFF  }
0xc5: {  	_ =	task.clear_ibuf [dreg:s9], $0x2FFFF;
	_ =	strace $0x9FFFFFFF  }
0xc6: {  	(tm) =	ssettm $0x7FFFFFFF  }
0xc7: {  	_ =	shalt  }
tec
execute0_lowered:
.L_overlay_start_1:
0x0: {  	(tag) =	ssettag $0x1  }
0x1: {  	s0 =	rddreg [dreg:$0x0]  }
0x2: {  	s1 =	rddreg [dreg:$0x1]  }
0x3: {  	s6 =	rddreg [dreg:$0x2]  }
0x4: {  	s3 =	rddreg [dreg:$0x3];
	s2 =	simm.s32 $0x0;
	s4 =	srdreg.scid  }
0x5: {  	s8 =	stileid.u32;
	s11 =	simm.s32 $0x2000;
	s23 =	simm.s32 $0x7000  }
0x6: {  	s24 =	simm.s32 $0x7800;
	s28 =	simm.s32 $0x9000;
	s29 =	simm.s32 $0x9800  }
0x7: {  	s30 =	simm.s32 $0xA000;
	s31 =	simm.s32 $0xA800;
	s12 =	simm.s32 $0xC000  }
0x8: {  	s13 =	simm.s32 $0x4;
	s14 =	simm.s32 $0x11800;
	s16 =	simm.s32 $0x0  }
0x9: {  	[smem:$0x7FF] =	sst s2;
	s3 =	sadd.s32 $0x400, s3;
	s4 =	sand.u32 $0x1, s4  }
0xa: {  	s5 =	sshll.u32 s8, $0x1;
	s8 =	sshrl.u32 s8, $0x1;
	_ =	strace $0x80000047  }
0xb: {  	s7 =	ssub.s32 $0x2, s4;
	s5 =	sand.u32 $0x2, s5;
	s10 =	smul.u32 $0x500, s8  }
0xc: {  	s9 =	sshrl.u32 s7, $0x1;
	s5 =	sor.u32 s4, s5;
	s4 =	sshll.u32 s8, $0x7  }
0xd: {  	s7 =	ssub.s32 s7, s9;
	s25 =	sshll.u32 s5, $0x8;
	s5 =	sshll.u32 s5, $0xB  }
0xe: {  	s0 =	sadd.s32 s0, s10;
	s10 =	simm.s32 $0x800;
	s9 =	simm.s32 $0x2  }
0xf: {  	s6 =	sadd.s32 s6, s25;
	[dreg:$0x6] =	wrdreg s0;
	s8 =	sadd.s32 s1, s25  }
0x10: {  	v2 =	vlaneseq.u32;
	s26 =	smax.u32 s7, $0x1;
	s25 =	simm.s32 $0x8000;
	s0 =	simm.s32 $0xB000  }
0x11: {  	vm0 =	vmmov $0xffff;
	v1 =	vshrl.u32 v2, $0x3;
	s1 =	simm.s32 $0xB800;
	s7 =	simm.s32 $0xC800;
	[dreg:$0x5] =	wrdreg s6  }
0x12: {  	v0 =	vand.u32 $0x7, v2;
	v2 =	vor.u32 $0x8, v2;
	v1 =	vmul.u32 $0x8, v1;
	[dreg:$0x7] =	wrdreg s26;
	s26 =	simm.s32 $0x8800;
	s6 =	simm.s32 $0x1  }
.LBB2_1:
0x13: {  	[dreg:$0x8] =	wrdreg s16  }
0x14: {  	s15 =	rddreg [dreg:$0x5];
	s18 =	simm.s32 $0x16800;
	s19 =	simm.s32 $0x5  }
0x15: {  	[tilespmem:s18], [sflag:$0x5] =	stream.strided.gather [hbm4b:s15+s10], $0x5000, s11, s10, $0x38;
	[tilespmem:$0x1B800] =	vst v63  }
0x16: {  	_ =	swait.ge [sflag:s19], $0x5000  }
0x17: {  	[sflag:s19] =	ssyncset.done $0x0  }
0x18: {  	s20 =	rddreg [dreg:$0x6];
	[sflag:s19] =	ssyncadd.s32 $0xFFFFB000  }
0x19: {  	[tilespmem:s2], [sflag:$0x5] =	stream.linear.gather [hbm4b:s20+s2], $0x2800, $0x38;
	[tilespmem:$0x1B800] =	vst v63  }
0x1a: {  	_ =	swait.ge [sflag:s19], $0x2800  }
0x1b: {  	[sflag:s19] =	ssyncset.done $0x0  }
0x1c: {  	[sflag:s19] =	ssyncadd.s32 $0xFFFFD800  }
0x1d: {  	v3 =	vld [tilespmem:$0x0];
	_ =	sdelay $0x4  }
0x1e: {  	v4 =	vshll.u32 v3, $0x3  }
0x1f: {  	v3 =	vand.u32 $0x7, v3;
	v4 =	vand.u32 $0xFFFFFFC0, v4  }
0x20: {  	v3 =	vor.u32 v3, v4  }
0x21: {  	v4 =	vperm.xlane v3, v0;
	_ =	sdelay $0x1  }
0x22: {  	v3 =	vperm.xlane v3, v2;
	v4 =	vadd.s32 v1, v4;
	_ =	sdelay $0x1  }
0x23: {  	v3 =	vadd.s32 v1, v3;
	_ =	sdelay $0x1  }
0x24: {  	s21 =	simm.s32 $0x2800  }
0x25: {  	[tilespmem:s21], [sflag:$0x1] =	stream.indirect_vreg.gather [hbm4b:s8+s2], $0x80, v4, vm0, $0xb8;
	[tilespmem:$0x1B800] =	vst v63  }
0x26: {  	s22 =	simm.s32 $0x3000  }
0x27: {  	[tilespmem:s22], [sflag:$0x1] =	stream.indirect_vreg.gather [hbm4b:s8+s2], $0x80, v3, vm0, $0xb8;
	[tilespmem:$0x1B800] =	vst v63  }
0x28: {  	v3 =	vld [tilespmem:$0x10];
	_ =	sdelay $0x4  }
0x29: {  	v60 =	vshll.u32 v3, $0x3  }
0x2a: {  	v3 =	vand.u32 $0x7, v3;
	v4 =	vand.u32 $0xFFFFFFC0, v60  }
0x2b: {  	v3 =	vor.u32 v3, v4  }
0x2c: {  	v4 =	vperm.xlane v3, v0;
	_ =	sdelay $0x1  }
0x2d: {  	v3 =	vperm.xlane v3, v2;
	v4 =	vadd.s32 v1, v4;
	_ =	sdelay $0x1  }
0x2e: {  	v3 =	vadd.s32 v1, v3;
	_ =	sdelay $0x1  }
0x2f: {  	s16 =	simm.s32 $0x3800  }
0x30: {  	[tilespmem:s16], [sflag:$0x1] =	stream.indirect_vreg.gather [hbm4b:s8+s2], $0x80, v4, vm0, $0xb8;
	[tilespmem:$0x1B800] =	vst v63  }
0x31: {  	s17 =	simm.s32 $0x4000  }
0x32: {  	[tilespmem:s17], [sflag:$0x1] =	stream.indirect_vreg.gather [hbm4b:s8+s2], $0x80, v3, vm0, $0xb8;
	[tilespmem:$0x1B800] =	vst v63  }
0x33: {  	v3 =	vld [tilespmem:$0x20];
	_ =	sdelay $0x4  }
0x34: {  	v61 =	vshll.u32 v3, $0x3  }
0x35: {  	v3 =	vand.u32 $0x7, v3;
	v4 =	vand.u32 $0xFFFFFFC0, v61  }
0x36: {  	v3 =	vor.u32 v3, v4  }
0x37: {  	v4 =	vperm.xlane v3, v0;
	_ =	sdelay $0x1  }
0x38: {  	v3 =	vperm.xlane v3, v2;
	v4 =	vadd.s32 v1, v4;
	_ =	sdelay $0x1  }
0x39: {  	v3 =	vadd.s32 v1, v3;
	_ =	sdelay $0x1  }
0x3a: {  	s18 =	simm.s32 $0x4800  }
0x3b: {  	[tilespmem:s18], [sflag:$0x1] =	stream.indirect_vreg.gather [hbm4b:s8+s2], $0x80, v4, vm0, $0xb8;
	[tilespmem:$0x1B800] =	vst v63  }
0x3c: {  	s19 =	simm.s32 $0x5000  }
0x3d: {  	[tilespmem:s19], [sflag:$0x1] =	stream.indirect_vreg.gather [hbm4b:s8+s2], $0x80, v3, vm0, $0xb8;
	[tilespmem:$0x1B800] =	vst v63  }
0x3e: {  	v3 =	vld [tilespmem:$0x30];
	_ =	sdelay $0x4  }
0x3f: {  	v62 =	vshll.u32 v3, $0x3  }
0x40: {  	v3 =	vand.u32 $0x7, v3;
	v4 =	vand.u32 $0xFFFFFFC0, v62  }
0x41: {  	v3 =	vor.u32 v3, v4  }
0x42: {  	v4 =	vperm.xlane v3, v0;
	_ =	sdelay $0x1  }
0x43: {  	v3 =	vperm.xlane v3, v2;
	v4 =	vadd.s32 v1, v4;
	_ =	sdelay $0x1  }
0x44: {  	v3 =	vadd.s32 v1, v3;
	_ =	sdelay $0x1  }
0x45: {  	s20 =	simm.s32 $0x5800  }
0x46: {  	[tilespmem:s20], [sflag:$0x1] =	stream.indirect_vreg.gather [hbm4b:s8+s2], $0x80, v4, vm0, $0xb8;
	[tilespmem:$0x1B800] =	vst v63  }
0x47: {  	s21 =	simm.s32 $0x6000  }
0x48: {  	[tilespmem:s21], [sflag:$0x1] =	stream.indirect_vreg.gather [hbm4b:s8+s2], $0x80, v3, vm0, $0xb8;
	[tilespmem:$0x1B800] =	vst v63  }
0x49: {  	v3 =	vld [tilespmem:$0x40];
	_ =	sdelay $0x4  }
0x4a: {  	v63 =	vshll.u32 v3, $0x3  }
0x4b: {  	v3 =	vand.u32 $0x7, v3;
	v4 =	vand.u32 $0xFFFFFFC0, v63  }
0x4c: {  	v3 =	vor.u32 v3, v4  }
0x4d: {  	v4 =	vperm.xlane v3, v0;
	_ =	sdelay $0x1  }
0x4e: {  	v3 =	vperm.xlane v3, v2;
	v4 =	vadd.s32 v1, v4;
	_ =	sdelay $0x1  }
0x4f: {  	v3 =	vadd.s32 v1, v3;
	_ =	sdelay $0x1  }
0x50: {  	s22 =	simm.s32 $0x6800  }
0x51: {  	[tilespmem:s22], [sflag:$0x1] =	stream.indirect_vreg.gather [hbm4b:s8+s2], $0x80, v4, vm0, $0xb8;
	[tilespmem:$0x1B800] =	vst v63  }
0x52: {  	s15 =	simm.s32 $0x0  }
0x53: {  	[tilespmem:s23], [sflag:$0x1] =	stream.indirect_vreg.gather [hbm4b:s8+s2], $0x80, v3, vm0, $0xb8;
	[tilespmem:$0x1B800] =	vst v63  }
.LBB2_2:
0x54: {  	s16 =	sshllo.u32 s15, $0x1  }
0x55: {  	s17 =	smul.u32 $0x140, s16;
	_ =	sdelay $0x1  }
0x56: {  	s17 =	sshra.s32 s17, $0x2  }
0x57: {  	v3 =	vld [tilespmem:s17+$0x0];
	_ =	sdelay $0x4  }
0x58: {  	v4 =	vshll.u32 v3, $0x3  }
0x59: {  	v3 =	vand.u32 $0x7, v3;
	v4 =	vand.u32 $0xFFFFFFC0, v4  }
0x5a: {  	v3 =	vor.u32 v3, v4  }
0x5b: {  	v4 =	vperm.xlane v3, v0;
	_ =	sdelay $0x1  }
0x5c: {  	v3 =	vperm.xlane v3, v2;
	v4 =	vadd.s32 v1, v4;
	_ =	sdelay $0x1  }
0x5d: {  	v3 =	vadd.s32 v1, v3;
	_ =	sdelay $0x2  }
0x5e: {  	[tilespmem:s24], [sflag:$0x2] =	stream.indirect_vreg.gather [hbm4b:s8+s2], $0x80, v4, vm0, $0xb8;
	[tilespmem:$0x1B800] =	vst v63  }
0x5f: {  	_ = 	snop  }
0x60: {  	[tilespmem:s25], [sflag:$0x2] =	stream.indirect_vreg.gather [hbm4b:s8+s2], $0x80, v3, vm0, $0xb8;
	[tilespmem:$0x1B800] =	vst v63  }
0x61: {  	v3 =	vld [tilespmem:s17+$0x10];
	_ =	sdelay $0x4  }
0x62: {  	v4 =	vshll.u32 v3, $0x3  }
0x63: {  	v3 =	vand.u32 $0x7, v3;
	v4 =	vand.u32 $0xFFFFFFC0, v4  }
0x64: {  	v3 =	vor.u32 v3, v4  }
0x65: {  	v4 =	vperm.xlane v3, v0;
	_ =	sdelay $0x1  }
0x66: {  	v3 =	vperm.xlane v3, v2;
	v4 =	vadd.s32 v1, v4;
	_ =	sdelay $0x1  }
0x67: {  	v3 =	vadd.s32 v1, v3;
	_ =	sdelay $0x2  }
0x68: {  	[tilespmem:s26], [sflag:$0x2] =	stream.indirect_vreg.gather [hbm4b:s8+s2], $0x80, v4, vm0, $0xb8;
	[tilespmem:$0x1B800] =	vst v63  }
0x69: {  	_ = 	snop  }
0x6a: {  	[tilespmem:s28], [sflag:$0x2] =	stream.indirect_vreg.gather [hbm4b:s8+s2], $0x80, v3, vm0, $0xb8;
	[tilespmem:$0x1B800] =	vst v63  }
0x6b: {  	v3 =	vld [tilespmem:s17+$0x20];
	_ =	sdelay $0x4  }
0x6c: {  	v4 =	vshll.u32 v3, $0x3  }
0x6d: {  	v3 =	vand.u32 $0x7, v3;
	v4 =	vand.u32 $0xFFFFFFC0, v4  }
0x6e: {  	v3 =	vor.u32 v3, v4  }
0x6f: {  	v4 =	vperm.xlane v3, v0;
	_ =	sdelay $0x1  }
0x70: {  	v3 =	vperm.xlane v3, v2;
	v4 =	vadd.s32 v1, v4;
	_ =	sdelay $0x1  }
0x71: {  	v3 =	vadd.s32 v1, v3;
	_ =	sdelay $0x2  }
0x72: {  	[tilespmem:s29], [sflag:$0x2] =	stream.indirect_vreg.gather [hbm4b:s8+s2], $0x80, v4, vm0, $0xb8;
	[tilespmem:$0x1B800] =	vst v63  }
0x73: {  	_ = 	snop  }
0x74: {  	[tilespmem:s30], [sflag:$0x2] =	stream.indirect_vreg.gather [hbm4b:s8+s2], $0x80, v3, vm0, $0xb8;
	[tilespmem:$0x1B800] =	vst v63  }
0x75: {  	v3 =	vld [tilespmem:s17+$0x30];
	_ =	sdelay $0x4  }
0x76: {  	v4 =	vshll.u32 v3, $0x3  }
0x77: {  	v3 =	vand.u32 $0x7, v3;
	v4 =	vand.u32 $0xFFFFFFC0, v4  }
0x78: {  	v3 =	vor.u32 v3, v4  }
0x79: {  	v4 =	vperm.xlane v3, v0;
	_ =	sdelay $0x1  }
0x7a: {  	v3 =	vperm.xlane v3, v2;
	v4 =	vadd.s32 v1, v4;
	_ =	sdelay $0x1  }
0x7b: {  	v3 =	vadd.s32 v1, v3;
	_ =	sdelay $0x2  }
0x7c: {  	[tilespmem:s31], [sflag:$0x2] =	stream.indirect_vreg.gather [hbm4b:s8+s2], $0x80, v4, vm0, $0xb8;
	[tilespmem:$0x1B800] =	vst v63  }
0x7d: {  	_ = 	snop  }
0x7e: {  	[tilespmem:s0], [sflag:$0x2] =	stream.indirect_vreg.gather [hbm4b:s8+s2], $0x80, v3, vm0, $0xb8;
	[tilespmem:$0x1B800] =	vst v63  }
0x7f: {  	v3 =	vld [tilespmem:s17+$0x40];
	_ =	sdelay $0x4  }
0x80: {  	v4 =	vshll.u32 v3, $0x3  }
0x81: {  	v3 =	vand.u32 $0x7, v3;
	v4 =	vand.u32 $0xFFFFFFC0, v4  }
0x82: {  	v3 =	vor.u32 v3, v4  }
0x83: {  	v4 =	vperm.xlane v3, v0;
	_ =	sdelay $0x1  }
0x84: {  	v3 =	vperm.xlane v3, v2;
	v4 =	vadd.s32 v1, v4;
	_ =	sdelay $0x1  }
0x85: {  	v3 =	vadd.s32 v1, v3;
	_ =	sdelay $0x2  }
0x86: {  	[tilespmem:s1], [sflag:$0x2] =	stream.indirect_vreg.gather [hbm4b:s8+s2], $0x80, v4, vm0, $0xb8;
	[tilespmem:$0x1B800] =	vst v63  }
0x87: {  	_ = 	snop  }
0x88: {  	[tilespmem:s12], [sflag:$0x2] =	stream.indirect_vreg.gather [hbm4b:s8+s2], $0x80, v3, vm0, $0xb8;
	[tilespmem:$0x1B800] =	vst v63  }
0x89: {  	_ =	swait.ge [sflag:s6], $0x5000  }
0x8a: {  	p0 =	seq.s32 s15, $0x0;
	[sflag:s6] =	ssyncset.done $0x0  }
0x8b: {  	s17 =	simm.s32 @!p0 $0x3;
	[sflag:s6] =	ssyncadd.s32 $0xFFFFB000  }
0x8c: {  	s18 =	simm.s32 $0x0;
	_ =	swait.ge @!p0 [sflag:s17], $0x5000  }
0x8d: {  	s19 =	sand.u32 $0x7800, s18;
	s18 =	sand.u32 $0x380, s18;
	[sflag:s17] =	ssyncset.done @!p0 $0x0  }
0x8e: {  	[sflag:s17] =	ssyncadd.s32 @!p0 $0xFFFFB000;
	s17 =	sor.u32 s18, s19  }
0x8f: {  	v3 =	vld [tilespmem:s17+$0x2C70]  }
0x90: {  	v4 =	vld [tilespmem:s17+$0x16C70]  }
0x91: {  	v5 =	vld [tilespmem:s17+$0x2800]  }
0x92: {  	v6 =	vld [tilespmem:s17+$0x16800]  }
0x93: {  	v7 =	vld [tilespmem:s17+$0x2810]  }
0x94: {  	v8 =	vld [tilespmem:s17+$0x16810]  }
0x95: {  	v9 =	vld [tilespmem:s17+$0x2820]  }
0x96: {  	v10 =	vld [tilespmem:s17+$0x2830];
	v3 =	vadd.f32 v4, v3  }
0x97: {  	v4 =	vld [tilespmem:s17+$0x16820]  }
0x98: {  	v5 =	vadd.f32 v6, v5;
	[tilespmem:s17+$0xCC70] =	vst v3;
	v3 =	vld [tilespmem:s17+$0x16830]  }
0x99: {  	v6 =	vld [tilespmem:s17+$0x2840]  }
0x9a: {  	[tilespmem:s17+$0xC800] =	vst v5;
	v5 =	vadd.f32 v8, v7;
	v7 =	vld [tilespmem:s17+$0x16840]  }
0x9b: {  	v8 =	vld [tilespmem:s17+$0x16850]  }
0x9c: {  	[tilespmem:s17+$0xC810] =	vst v5;
	v5 =	vld [tilespmem:s17+$0x2850];
	v4 =	vadd.f32 v4, v9  }
0x9d: {  	v9 =	vld [tilespmem:s17+$0x16860];
	v3 =	vadd.f32 v3, v10  }
0x9e: {  	[tilespmem:s17+$0xC820] =	vst v4;
	v4 =	vld [tilespmem:s17+$0x2860]  }
0x9f: {  	[tilespmem:s17+$0xC830] =	vst v3;
	v3 =	vadd.f32 v7, v6;
	v6 =	vld [tilespmem:s17+$0x2870]  }
0xa0: {  	v7 =	vld [tilespmem:s17+$0x16870]  }
0xa1: {  	[tilespmem:s17+$0xC840] =	vst v3;
	v3 =	vadd.f32 v8, v5;
	v5 =	vld [tilespmem:s17+$0x2C00]  }
0xa2: {  	v8 =	vld [tilespmem:s17+$0x16C00]  }
0xa3: {  	[tilespmem:s17+$0xC850] =	vst v3;
	v3 =	vadd.f32 v9, v4;
	v4 =	vld [tilespmem:s17+$0x2C10]  }
0xa4: {  	v9 =	vld [tilespmem:s17+$0x16C10]  }
0xa5: {  	[tilespmem:s17+$0xC860] =	vst v3;
	v3 =	vadd.f32 v7, v6;
	v6 =	vld [tilespmem:s17+$0x2C20]  }
0xa6: {  	v7 =	vld [tilespmem:s17+$0x16C20]  }
0xa7: {  	v10 =	vld [tilespmem:s17+$0x16C30]  }
0xa8: {  	[tilespmem:s17+$0xC870] =	vst v3;
	v3 =	vadd.f32 v8, v5;
	v8 =	vld [tilespmem:s17+$0x2C30]  }
0xa9: {  	v5 =	vld [tilespmem:s17+$0x16C40];
	v4 =	vadd.f32 v9, v4  }
0xaa: {  	[tilespmem:s17+$0xCC00] =	vst v3;
	v3 =	vld [tilespmem:s17+$0x2C40]  }
0xab: {  	[tilespmem:s17+$0xCC10] =	vst v4;
	v7 =	vadd.f32 v7, v6;
	v4 =	vld [tilespmem:s17+$0x2C50]  }
0xac: {  	s22 =	simm.s32 $0x100;
	s19 =	simm.s32 $0x80;
	v6 =	vld [tilespmem:s17+$0x16C50]  }
0xad: {  	s20 =	sand.u32 $0x7800, s22;
	s21 =	sand.u32 $0x380, s19;
	[tilespmem:s17+$0xCC20] =	vst v7;
	v7 =	vld [tilespmem:s17+$0x2C60];
	v9 =	vadd.f32 v10, v8  }
0xae: {  	s18 =	sshll.u32 s15, $0x1;
	s21 =	sor.u32 s21, s20;
	s20 =	simm.s32 $0x200;
	v8 =	vld [tilespmem:s17+$0x16C60]  }
.LBB2_3:
0xaf: {  	p1 =	sne.s32 s20, $0x4C00;
	v10 =	vld [tilespmem:s21+$0x2C70];
	[tilespmem:s17+$0xCC30] =	vst v9;
	v3 =	vadd.f32 v5, v3  }
0xb0: {  	v5 =	vld [tilespmem:s21+$0x16C70]  }
0xb1: {  	v9 =	vld [tilespmem:s21+$0x2800];
	[tilespmem:s17+$0xCC40] =	vst v3;
	v3 =	vadd.f32 v6, v4  }
0xb2: {  	v4 =	vld [tilespmem:s21+$0x16800]  }
0xb3: {  	v6 =	vld [tilespmem:s21+$0x2810];
	[tilespmem:s17+$0xCC50] =	vst v3;
	v3 =	vadd.f32 v8, v7  }
0xb4: {  	v7 =	vld [tilespmem:s21+$0x16810]  }
0xb5: {  	v8 =	vld [tilespmem:s21+$0x2820];
	v5 =	vadd.f32 v5, v10;
	[tilespmem:s17+$0xCC60] =	vst v3;
	s17 =	smov.u32 s21  }
0xb6: {  	v3 =	vld [tilespmem:s17+$0x16820]  }
0xb7: {  	v4 =	vadd.f32 v4, v9;
	v9 =	vld [tilespmem:s17+$0x2830];
	[tilespmem:s17+$0xCC70] =	vst v5  }
0xb8: {  	v5 =	vld [tilespmem:s17+$0x16830]  }
0xb9: {  	[tilespmem:s17+$0xC800] =	vst v4;
	v4 =	vadd.f32 v7, v6;
	v6 =	vld [tilespmem:s17+$0x2840]  }
0xba: {  	v7 =	vld [tilespmem:s17+$0x16840]  }
0xbb: {  	[tilespmem:s17+$0xC810] =	vst v4;
	v3 =	vadd.f32 v3, v8;
	v4 =	vld [tilespmem:s17+$0x2850]  }
0xbc: {  	v8 =	vld [tilespmem:s17+$0x16850]  }
0xbd: {  	[tilespmem:s17+$0xC820] =	vst v3;
	v3 =	vadd.f32 v5, v9;
	v5 =	vld [tilespmem:s17+$0x2860]  }
0xbe: {  	v9 =	vld [tilespmem:s17+$0x16860]  }
0xbf: {  	[tilespmem:s17+$0xC830] =	vst v3;
	v3 =	vadd.f32 v7, v6;
	v6 =	vld [tilespmem:s17+$0x2870]  }
0xc0: {  	v7 =	vld [tilespmem:s17+$0x16870]  }
0xc1: {  	[tilespmem:s17+$0xC840] =	vst v3;
	v3 =	vadd.f32 v8, v4;
	v4 =	vld [tilespmem:s17+$0x2C00]  }
0xc2: {  	v8 =	vld [tilespmem:s17+$0x16C00]  }
0xc3: {  	[tilespmem:s17+$0xC850] =	vst v3;
	v3 =	vadd.f32 v9, v5;
	v5 =	vld [tilespmem:s17+$0x2C10]  }
0xc4: {  	v9 =	vld [tilespmem:s17+$0x16C10]  }
0xc5: {  	[tilespmem:s17+$0xC860] =	vst v3;
	v3 =	vadd.f32 v7, v6;
	v6 =	vld [tilespmem:s17+$0x2C20]  }
0xc6: {  	v7 =	vld [tilespmem:s17+$0x16C20]  }
0xc7: {  	[tilespmem:s17+$0xC870] =	vst v3;
	v3 =	vadd.f32 v8, v4;
	v8 =	vld [tilespmem:s17+$0x2C30]  }
0xc8: {  	v10 =	vld [tilespmem:s17+$0x16C30]  }
0xc9: {  	[tilespmem:s17+$0xCC00] =	vst v3;
	v4 =	vadd.f32 v9, v5;
	v3 =	vld [tilespmem:s17+$0x2C40]  }
.Ltmp0:
0xca: {  	v5 =	vld [tilespmem:s17+$0x16C40];
	(pc) =	sbr.rel @p1 .LBB2_3-.Ltmp0, $4  }
0xcb: {  	[tilespmem:s17+$0xCC10] =	vst v4;
	v7 =	vadd.f32 v7, v6;
	v4 =	vld [tilespmem:s17+$0x2C50]  }
0xcc: {  	s19 =	sadd.s32 $0x80, s19;
	v6 =	vld [tilespmem:s17+$0x16C50]  }
0xcd: {  	s22 =	sand.u32 $0x380, s19;
	s21 =	sand.u32 $0x7800, s20;
	[tilespmem:s17+$0xCC20] =	vst v7;
	v9 =	vadd.f32 v10, v8;
	v7 =	vld [tilespmem:s17+$0x2C60]  }
0xce: {  	s20 =	sadd.s32 $0x100, s20;
	s21 =	sor.u32 s22, s21;
	v8 =	vld [tilespmem:s17+$0x16C60]  }
0xcf: {  	v10 =	vld [tilespmem:s21+$0x2C70];
	[tilespmem:s17+$0xCC30] =	vst v9;
	v3 =	vadd.f32 v5, v3  }
0xd0: {  	v33 =	vld [tilespmem:s21+$0x16C70]  }
0xd1: {  	v9 =	vld [tilespmem:s21+$0x2800];
	[tilespmem:s17+$0xCC40] =	vst v3;
	v3 =	vadd.f32 v6, v4  }
0xd2: {  	v34 =	vld [tilespmem:s21+$0x16800]  }
0xd3: {  	v35 =	vld [tilespmem:s21+$0x2810];
	[tilespmem:s17+$0xCC50] =	vst v3;
	v3 =	vadd.f32 v8, v7  }
0xd4: {  	v36 =	vld [tilespmem:s21+$0x16810]  }
0xd5: {  	v37 =	vld [tilespmem:s21+$0x2820];
	[tilespmem:s17+$0xCC60] =	vst v3  }
0xd6: {  	v38 =	vld [tilespmem:s21+$0x16820]  }
0xd7: {  	v3 =	vadd.f32 v33, v10;
	v39 =	vld [tilespmem:s21+$0x2830]  }
0xd8: {  	v41 =	vld [tilespmem:s21+$0x2840]  }
0xd9: {  	[tilespmem:s21+$0xCC70] =	vst v3;
	v3 =	vld [tilespmem:s21+$0x16830]  }
0xda: {  	v42 =	vld [tilespmem:s21+$0x16840]  }
0xdb: {  	v44 =	vld [tilespmem:s21+$0x2850]  }
0xdc: {  	v45 =	vld [tilespmem:s21+$0x16850]  }
0xdd: {  	v46 =	vld [tilespmem:s21+$0x2860]  }
0xde: {  	v47 =	vld [tilespmem:s21+$0x16860];
	v3 =	vadd.f32 v3, v39  }
0xdf: {  	v48 =	vld [tilespmem:s21+$0x2870]  }
0xe0: {  	v49 =	vld [tilespmem:s21+$0x16870];
	[tilespmem:s21+$0xC830] =	vst v3;
	v3 =	vadd.f32 v42, v41  }
0xe1: {  	v50 =	vld [tilespmem:s21+$0x2C00]  }
0xe2: {  	v51 =	vld [tilespmem:s21+$0x16C00];
	[tilespmem:s21+$0xC840] =	vst v3;
	v3 =	vadd.f32 v45, v44  }
0xe3: {  	v52 =	vld [tilespmem:s21+$0x2C10]  }
0xe4: {  	v53 =	vld [tilespmem:s21+$0x16C10];
	[tilespmem:s21+$0xC850] =	vst v3;
	v3 =	vadd.f32 v47, v46  }
0xe5: {  	v54 =	vld [tilespmem:s21+$0x2C20]  }
0xe6: {  	v55 =	vld [tilespmem:s21+$0x16C20];
	[tilespmem:s21+$0xC860] =	vst v3;
	v3 =	vadd.f32 v49, v48  }
0xe7: {  	v56 =	vld [tilespmem:s21+$0x2C30]  }
0xe8: {  	v57 =	vld [tilespmem:s21+$0x16C30];
	[tilespmem:s21+$0xC870] =	vst v3;
	v3 =	vadd.f32 v51, v50  }
0xe9: {  	v58 =	vld [tilespmem:s21+$0x2C40]  }
0xea: {  	v59 =	vld [tilespmem:s21+$0x16C40];
	[tilespmem:s21+$0xCC00] =	vst v3;
	v3 =	vadd.f32 v53, v52  }
0xeb: {  	v60 =	vld [tilespmem:s21+$0x2C50]  }
0xec: {  	v61 =	vld [tilespmem:s21+$0x16C50];
	[tilespmem:s21+$0xCC10] =	vst v3;
	v3 =	vadd.f32 v55, v54  }
0xed: {  	v62 =	vld [tilespmem:s21+$0x16C60];
	v4 =	vadd.f32 v34, v9  }
0xee: {  	v40 =	vadd.f32 v36, v35;
	[tilespmem:s21+$0xCC20] =	vst v3;
	v3 =	vld [tilespmem:s21+$0x2C60]  }
0xef: {  	[tilespmem:s21+$0xC800] =	vst v4;
	v43 =	vadd.f32 v38, v37  }
0xf0: {  	s22 =	sadd.s32 s4, s18;
	[tilespmem:s21+$0xC810] =	vst v40;
	v5 =	vadd.f32 v57, v56  }
0xf1: {  	p1 =	sne.s32 s15, $0x3F;
	s17 =	smul.u32 $0x14000, s22;
	v4 =	vadd.f32 v59, v58;
	[tilespmem:s21+$0xC820] =	vst v43  }
.Ltmp1:
0xf2: {  	v63 =	vadd.f32 v61, v60;
	[tilespmem:s21+$0xCC30] =	vst v5;
	(pc) =	sbr.rel @p1 .LBB2_6-.Ltmp1, $4  }
0xf3: {  	s17 =	sor.u32 s5, s17;
	[tilespmem:s21+$0xCC40] =	vst v4;
	v3 =	vadd.f32 v62, v3  }
0xf4: {  	s17 =	sshrl.u32 s17, $0x3;
	[tilespmem:s21+$0xCC50] =	vst v63  }
0xf5: {  	s17 =	sadd.s32 s3, s17;
	[tilespmem:s21+$0xCC60] =	vst v3  }
0xf6: {  	[hbm4b:s17+s10] =	stream.strided.scatter [tilespmem:s7], [sflag:$0x3], $0x5000, s11, s10, $0x38;
	[tilespmem:$0x1B800] =	vst v63  }
.Ltmp2:
0xf7: {  	(pc) =	sbr.rel .LBB2_7-.Ltmp2, $4  }
0xf8: {  	_ = 	snop  }
0xf9: {  	_ =	swait.ge [sflag:s9], $0x5000  }
0xfa: {  	[sflag:s9] =	ssyncset.done $0x0  }
0xfb: {  	[sflag:s9] =	ssyncadd.s32 $0xFFFFB000  }
.LBB2_6:
0xfc: {  	s17 =	smul.u32 $0x280, s15;
	_ =	sdelay $0x1  }
0xfd: {  	s17 =	sshra.s32 s17, $0x2  }
0xfe: {  	v3 =	vld [tilespmem:s17+$0xA0];
	_ =	sdelay $0x4  }
0xff: {  	v4 =	vshll.u32 v3, $0x3  }
0x100: {  	v3 =	vand.u32 $0x7, v3;
	v4 =	vand.u32 $0xFFFFFFC0, v4  }
0x101: {  	v3 =	vor.u32 v3, v4  }
0x102: {  	v4 =	vperm.xlane v3, v0;
	_ =	sdelay $0x1  }
0x103: {  	v3 =	vperm.xlane v3, v2;
	v4 =	vadd.s32 v1, v4;
	_ =	sdelay $0x1  }
0x104: {  	v3 =	vadd.s32 v1, v3;
	_ =	sdelay $0x1  }
0x105: {  	s18 =	simm.s32 $0x2800  }
0x106: {  	[tilespmem:s18], [sflag:$0x1] =	stream.indirect_vreg.gather [hbm4b:s8+s2], $0x80, v4, vm0, $0xb8;
	[tilespmem:$0x1B800] =	vst v63  }
0x107: {  	s19 =	simm.s32 $0x3000  }
0x108: {  	[tilespmem:s19], [sflag:$0x1] =	stream.indirect_vreg.gather [hbm4b:s8+s2], $0x80, v3, vm0, $0xb8;
	[tilespmem:$0x1B800] =	vst v63  }
0x109: {  	v3 =	vld [tilespmem:s17+$0xB0];
	_ =	sdelay $0x4  }
0x10a: {  	v60 =	vshll.u32 v3, $0x3  }
0x10b: {  	v3 =	vand.u32 $0x7, v3;
	v4 =	vand.u32 $0xFFFFFFC0, v60  }
0x10c: {  	v3 =	vor.u32 v3, v4  }
0x10d: {  	v4 =	vperm.xlane v3, v0;
	_ =	sdelay $0x1  }
0x10e: {  	v3 =	vperm.xlane v3, v2;
	v4 =	vadd.s32 v1, v4;
	_ =	sdelay $0x1  }
0x10f: {  	v3 =	vadd.s32 v1, v3;
	_ =	sdelay $0x1  }
0x110: {  	s20 =	simm.s32 $0x3800  }
0x111: {  	[tilespmem:s20], [sflag:$0x1] =	stream.indirect_vreg.gather [hbm4b:s8+s2], $0x80, v4, vm0, $0xb8;
	[tilespmem:$0x1B800] =	vst v63  }
0x112: {  	s21 =	simm.s32 $0x4000  }
0x113: {  	[tilespmem:s21], [sflag:$0x1] =	stream.indirect_vreg.gather [hbm4b:s8+s2], $0x80, v3, vm0, $0xb8;
	[tilespmem:$0x1B800] =	vst v63  }
0x114: {  	v3 =	vld [tilespmem:s17+$0xC0];
	_ =	sdelay $0x4  }
0x115: {  	v61 =	vshll.u32 v3, $0x3  }
0x116: {  	v3 =	vand.u32 $0x7, v3;
	v4 =	vand.u32 $0xFFFFFFC0, v61  }
0x117: {  	v3 =	vor.u32 v3, v4  }
0x118: {  	v4 =	vperm.xlane v3, v0;
	_ =	sdelay $0x1  }
0x119: {  	v3 =	vperm.xlane v3, v2;
	v4 =	vadd.s32 v1, v4;
	_ =	sdelay $0x1  }
0x11a: {  	v3 =	vadd.s32 v1, v3;
	_ =	sdelay $0x1  }
0x11b: {  	s22 =	simm.s32 $0x4800  }
0x11c: {  	[tilespmem:s22], [sflag:$0x1] =	stream.indirect_vreg.gather [hbm4b:s8+s2], $0x80, v4, vm0, $0xb8;
	[tilespmem:$0x1B800] =	vst v63  }
0x11d: {  	s19 =	simm.s32 $0x5000  }
0x11e: {  	[tilespmem:s19], [sflag:$0x1] =	stream.indirect_vreg.gather [hbm4b:s8+s2], $0x80, v3, vm0, $0xb8;
	[tilespmem:$0x1B800] =	vst v63  }
0x11f: {  	v3 =	vld [tilespmem:s17+$0xD0];
	_ =	sdelay $0x4  }
0x120: {  	v62 =	vshll.u32 v3, $0x3  }
0x121: {  	v3 =	vand.u32 $0x7, v3;
	v4 =	vand.u32 $0xFFFFFFC0, v62  }
0x122: {  	v3 =	vor.u32 v3, v4  }
0x123: {  	v4 =	vperm.xlane v3, v0;
	_ =	sdelay $0x1  }
0x124: {  	v3 =	vperm.xlane v3, v2;
	v4 =	vadd.s32 v1, v4;
	_ =	sdelay $0x1  }
0x125: {  	v3 =	vadd.s32 v1, v3;
	_ =	sdelay $0x1  }
0x126: {  	s20 =	simm.s32 $0x5800  }
0x127: {  	[tilespmem:s20], [sflag:$0x1] =	stream.indirect_vreg.gather [hbm4b:s8+s2], $0x80, v4, vm0, $0xb8;
	[tilespmem:$0x1B800] =	vst v63  }
0x128: {  	s21 =	simm.s32 $0x6000  }
0x129: {  	[tilespmem:s21], [sflag:$0x1] =	stream.indirect_vreg.gather [hbm4b:s8+s2], $0x80, v3, vm0, $0xb8;
	[tilespmem:$0x1B800] =	vst v63  }
0x12a: {  	v3 =	vld [tilespmem:s17+$0xE0];
	_ =	sdelay $0x4  }
0x12b: {  	v63 =	vshll.u32 v3, $0x3  }
0x12c: {  	v3 =	vand.u32 $0x7, v3;
	v4 =	vand.u32 $0xFFFFFFC0, v63  }
0x12d: {  	v3 =	vor.u32 v3, v4  }
0x12e: {  	v4 =	vperm.xlane v3, v0;
	_ =	sdelay $0x1  }
0x12f: {  	v3 =	vperm.xlane v3, v2;
	v4 =	vadd.s32 v1, v4;
	_ =	sdelay $0x1  }
0x130: {  	v3 =	vadd.s32 v1, v3;
	_ =	sdelay $0x1  }
0x131: {  	s22 =	simm.s32 $0x6800  }
0x132: {  	[tilespmem:s22], [sflag:$0x1] =	stream.indirect_vreg.gather [hbm4b:s8+s2], $0x80, v4, vm0, $0xb8;
	[tilespmem:$0x1B800] =	vst v63  }
.Ltmp3:
0x133: {  	_ = 	snop;
	(pc) =	sbr.rel @p0 .LBB2_8-.Ltmp3, $4  }
0x134: {  	[tilespmem:s23], [sflag:$0x1] =	stream.indirect_vreg.gather [hbm4b:s8+s2], $0x80, v3, vm0, $0xb8;
	[tilespmem:$0x1B800] =	vst v63  }
0x135: {  	_ =	swait.ge [sflag:s9], $0x5000  }
0x136: {  	[sflag:s9] =	ssyncset.done $0x0  }
0x137: {  	[sflag:s9] =	ssyncadd.s32 $0xFFFFB000  }
.LBB2_7:
0x138: {  	_ =	swait.ge [sflag:s13], $0x5000  }
0x139: {  	[sflag:s13] =	ssyncset.done $0x0  }
0x13a: {  	[sflag:s13] =	ssyncadd.s32 $0xFFFFB000  }
.LBB2_8:
0x13b: {  	s17 =	simm.s32 $0x0  }
0x13c: {  	s18 =	sand.u32 $0x7800, s17;
	s17 =	sand.u32 $0x380, s17  }
0x13d: {  	s17 =	sor.u32 s17, s18  }
0x13e: {  	v3 =	vld [tilespmem:s17+$0x7C70]  }
0x13f: {  	v4 =	vld [tilespmem:s17+$0x16C70]  }
0x140: {  	v5 =	vld [tilespmem:s17+$0x7800]  }
0x141: {  	v6 =	vld [tilespmem:s17+$0x16800]  }
0x142: {  	v7 =	vld [tilespmem:s17+$0x7810]  }
0x143: {  	v8 =	vld [tilespmem:s17+$0x16810]  }
0x144: {  	v9 =	vld [tilespmem:s17+$0x7820]  }
0x145: {  	v10 =	vld [tilespmem:s17+$0x7830];
	v3 =	vadd.f32 v4, v3  }
0x146: {  	v4 =	vld [tilespmem:s17+$0x16820]  }
0x147: {  	v5 =	vadd.f32 v6, v5;
	[tilespmem:s17+$0x11C70] =	vst v3;
	v3 =	vld [tilespmem:s17+$0x16830]  }
0x148: {  	v6 =	vld [tilespmem:s17+$0x7840]  }
0x149: {  	[tilespmem:s17+$0x11800] =	vst v5;
	v5 =	vadd.f32 v8, v7;
	v7 =	vld [tilespmem:s17+$0x16840]  }
0x14a: {  	v8 =	vld [tilespmem:s17+$0x16850]  }
0x14b: {  	[tilespmem:s17+$0x11810] =	vst v5;
	v5 =	vld [tilespmem:s17+$0x7850];
	v4 =	vadd.f32 v4, v9  }
0x14c: {  	v9 =	vld [tilespmem:s17+$0x16860];
	v3 =	vadd.f32 v3, v10  }
0x14d: {  	[tilespmem:s17+$0x11820] =	vst v4;
	v4 =	vld [tilespmem:s17+$0x7860]  }
0x14e: {  	[tilespmem:s17+$0x11830] =	vst v3;
	v3 =	vadd.f32 v7, v6;
	v6 =	vld [tilespmem:s17+$0x7870]  }
0x14f: {  	v7 =	vld [tilespmem:s17+$0x16870]  }
0x150: {  	[tilespmem:s17+$0x11840] =	vst v3;
	v3 =	vadd.f32 v8, v5;
	v5 =	vld [tilespmem:s17+$0x7C00]  }
0x151: {  	v8 =	vld [tilespmem:s17+$0x16C00]  }
0x152: {  	[tilespmem:s17+$0x11850] =	vst v3;
	v3 =	vadd.f32 v9, v4;
	v4 =	vld [tilespmem:s17+$0x7C10]  }
0x153: {  	v9 =	vld [tilespmem:s17+$0x16C10]  }
0x154: {  	[tilespmem:s17+$0x11860] =	vst v3;
	v3 =	vadd.f32 v7, v6;
	v6 =	vld [tilespmem:s17+$0x7C20]  }
0x155: {  	v7 =	vld [tilespmem:s17+$0x16C20]  }
0x156: {  	v10 =	vld [tilespmem:s17+$0x16C30]  }
0x157: {  	[tilespmem:s17+$0x11870] =	vst v3;
	v3 =	vadd.f32 v8, v5;
	v8 =	vld [tilespmem:s17+$0x7C30]  }
0x158: {  	v5 =	vld [tilespmem:s17+$0x16C40];
	v4 =	vadd.f32 v9, v4  }
0x159: {  	[tilespmem:s17+$0x11C00] =	vst v3;
	v3 =	vld [tilespmem:s17+$0x7C40]  }
0x15a: {  	[tilespmem:s17+$0x11C10] =	vst v4;
	v7 =	vadd.f32 v7, v6;
	v4 =	vld [tilespmem:s17+$0x7C50]  }
0x15b: {  	s19 =	simm.s32 $0x100;
	s18 =	simm.s32 $0x80;
	v6 =	vld [tilespmem:s17+$0x16C50]  }
0x15c: {  	s19 =	sand.u32 $0x7800, s19;
	s20 =	sand.u32 $0x380, s18;
	[tilespmem:s17+$0x11C20] =	vst v7;
	v7 =	vld [tilespmem:s17+$0x7C60];
	v9 =	vadd.f32 v10, v8  }
0x15d: {  	s20 =	sor.u32 s20, s19;
	s19 =	simm.s32 $0x200;
	v8 =	vld [tilespmem:s17+$0x16C60]  }
.LBB2_9:
0x15e: {  	p0 =	sne.s32 s19, $0x4C00;
	v10 =	vld [tilespmem:s20+$0x7C70];
	[tilespmem:s17+$0x11C30] =	vst v9;
	v3 =	vadd.f32 v5, v3  }
0x15f: {  	v5 =	vld [tilespmem:s20+$0x16C70]  }
0x160: {  	v9 =	vld [tilespmem:s20+$0x7800];
	[tilespmem:s17+$0x11C40] =	vst v3;
	v3 =	vadd.f32 v6, v4  }
0x161: {  	v4 =	vld [tilespmem:s20+$0x16800]  }
0x162: {  	v6 =	vld [tilespmem:s20+$0x7810];
	[tilespmem:s17+$0x11C50] =	vst v3;
	v3 =	vadd.f32 v8, v7  }
0x163: {  	v7 =	vld [tilespmem:s20+$0x16810]  }
0x164: {  	v8 =	vld [tilespmem:s20+$0x7820];
	v5 =	vadd.f32 v5, v10;
	[tilespmem:s17+$0x11C60] =	vst v3;
	s17 =	smov.u32 s20  }
0x165: {  	v3 =	vld [tilespmem:s17+$0x16820]  }
0x166: {  	v4 =	vadd.f32 v4, v9;
	v9 =	vld [tilespmem:s17+$0x7830];
	[tilespmem:s17+$0x11C70] =	vst v5  }
0x167: {  	v5 =	vld [tilespmem:s17+$0x16830]  }
0x168: {  	[tilespmem:s17+$0x11800] =	vst v4;
	v4 =	vadd.f32 v7, v6;
	v6 =	vld [tilespmem:s17+$0x7840]  }
0x169: {  	v7 =	vld [tilespmem:s17+$0x16840]  }
0x16a: {  	[tilespmem:s17+$0x11810] =	vst v4;
	v3 =	vadd.f32 v3, v8;
	v4 =	vld [tilespmem:s17+$0x7850]  }
0x16b: {  	v8 =	vld [tilespmem:s17+$0x16850]  }
0x16c: {  	[tilespmem:s17+$0x11820] =	vst v3;
	v3 =	vadd.f32 v5, v9;
	v5 =	vld [tilespmem:s17+$0x7860]  }
0x16d: {  	v9 =	vld [tilespmem:s17+$0x16860]  }
0x16e: {  	[tilespmem:s17+$0x11830] =	vst v3;
	v3 =	vadd.f32 v7, v6;
	v6 =	vld [tilespmem:s17+$0x7870]  }
0x16f: {  	v7 =	vld [tilespmem:s17+$0x16870]  }
0x170: {  	[tilespmem:s17+$0x11840] =	vst v3;
	v3 =	vadd.f32 v8, v4;
	v4 =	vld [tilespmem:s17+$0x7C00]  }
0x171: {  	v8 =	vld [tilespmem:s17+$0x16C00]  }
0x172: {  	[tilespmem:s17+$0x11850] =	vst v3;
	v3 =	vadd.f32 v9, v5;
	v5 =	vld [tilespmem:s17+$0x7C10]  }
0x173: {  	v9 =	vld [tilespmem:s17+$0x16C10]  }
0x174: {  	[tilespmem:s17+$0x11860] =	vst v3;
	v3 =	vadd.f32 v7, v6;
	v6 =	vld [tilespmem:s17+$0x7C20]  }
0x175: {  	v7 =	vld [tilespmem:s17+$0x16C20]  }
0x176: {  	[tilespmem:s17+$0x11870] =	vst v3;
	v3 =	vadd.f32 v8, v4;
	v8 =	vld [tilespmem:s17+$0x7C30]  }
0x177: {  	v10 =	vld [tilespmem:s17+$0x16C30]  }
0x178: {  	[tilespmem:s17+$0x11C00] =	vst v3;
	v4 =	vadd.f32 v9, v5;
	v3 =	vld [tilespmem:s17+$0x7C40]  }
.Ltmp4:
0x179: {  	v5 =	vld [tilespmem:s17+$0x16C40];
	(pc) =	sbr.rel @p0 .LBB2_9-.Ltmp4, $4  }
0x17a: {  	[tilespmem:s17+$0x11C10] =	vst v4;
	v7 =	vadd.f32 v7, v6;
	v4 =	vld [tilespmem:s17+$0x7C50]  }
0x17b: {  	s18 =	sadd.s32 $0x80, s18;
	v6 =	vld [tilespmem:s17+$0x16C50]  }
0x17c: {  	s21 =	sand.u32 $0x380, s18;
	s20 =	sand.u32 $0x7800, s19;
	[tilespmem:s17+$0x11C20] =	vst v7;
	v9 =	vadd.f32 v10, v8;
	v7 =	vld [tilespmem:s17+$0x7C60]  }
0x17d: {  	s19 =	sadd.s32 $0x100, s19;
	s20 =	sor.u32 s21, s20;
	v8 =	vld [tilespmem:s17+$0x16C60]  }
0x17e: {  	v10 =	vld [tilespmem:s20+$0x7C70];
	[tilespmem:s17+$0x11C30] =	vst v9;
	v3 =	vadd.f32 v5, v3  }
0x17f: {  	v33 =	vld [tilespmem:s20+$0x16C70]  }
0x180: {  	v9 =	vld [tilespmem:s20+$0x7800];
	[tilespmem:s17+$0x11C40] =	vst v3;
	v3 =	vadd.f32 v6, v4  }
0x181: {  	v34 =	vld [tilespmem:s20+$0x16800]  }
0x182: {  	v35 =	vld [tilespmem:s20+$0x7810];
	[tilespmem:s17+$0x11C50] =	vst v3;
	v3 =	vadd.f32 v8, v7  }
0x183: {  	v36 =	vld [tilespmem:s20+$0x16810]  }
0x184: {  	v37 =	vld [tilespmem:s20+$0x7820];
	[tilespmem:s17+$0x11C60] =	vst v3  }
0x185: {  	v38 =	vld [tilespmem:s20+$0x16820]  }
0x186: {  	v3 =	vadd.f32 v33, v10;
	v39 =	vld [tilespmem:s20+$0x7830]  }
0x187: {  	v41 =	vld [tilespmem:s20+$0x7840]  }
0x188: {  	[tilespmem:s20+$0x11C70] =	vst v3;
	v3 =	vld [tilespmem:s20+$0x16830]  }
0x189: {  	v42 =	vld [tilespmem:s20+$0x16840]  }
0x18a: {  	v44 =	vld [tilespmem:s20+$0x7850]  }
0x18b: {  	v45 =	vld [tilespmem:s20+$0x16850]  }
0x18c: {  	v46 =	vld [tilespmem:s20+$0x7860]  }
0x18d: {  	v47 =	vld [tilespmem:s20+$0x16860];
	v3 =	vadd.f32 v3, v39  }
0x18e: {  	v48 =	vld [tilespmem:s20+$0x7870]  }
0x18f: {  	v49 =	vld [tilespmem:s20+$0x16870];
	[tilespmem:s20+$0x11830] =	vst v3;
	v3 =	vadd.f32 v42, v41  }
0x190: {  	v50 =	vld [tilespmem:s20+$0x7C00]  }
0x191: {  	v51 =	vld [tilespmem:s20+$0x16C00];
	[tilespmem:s20+$0x11840] =	vst v3;
	v3 =	vadd.f32 v45, v44  }
0x192: {  	v52 =	vld [tilespmem:s20+$0x7C10]  }
0x193: {  	v53 =	vld [tilespmem:s20+$0x16C10];
	[tilespmem:s20+$0x11850] =	vst v3;
	v3 =	vadd.f32 v47, v46  }
0x194: {  	v54 =	vld [tilespmem:s20+$0x7C20]  }
0x195: {  	v55 =	vld [tilespmem:s20+$0x16C20];
	[tilespmem:s20+$0x11860] =	vst v3;
	v3 =	vadd.f32 v49, v48  }
0x196: {  	v56 =	vld [tilespmem:s20+$0x7C30]  }
0x197: {  	v57 =	vld [tilespmem:s20+$0x16C30];
	[tilespmem:s20+$0x11870] =	vst v3;
	v3 =	vadd.f32 v51, v50  }
0x198: {  	v58 =	vld [tilespmem:s20+$0x7C40]  }
0x199: {  	v59 =	vld [tilespmem:s20+$0x16C40];
	[tilespmem:s20+$0x11C00] =	vst v3;
	v3 =	vadd.f32 v53, v52  }
0x19a: {  	v60 =	vld [tilespmem:s20+$0x7C50]  }
0x19b: {  	v61 =	vld [tilespmem:s20+$0x16C50];
	[tilespmem:s20+$0x11C10] =	vst v3;
	v3 =	vadd.f32 v55, v54  }
0x19c: {  	v62 =	vld [tilespmem:s20+$0x16C60];
	v4 =	vadd.f32 v34, v9  }
0x19d: {  	v40 =	vadd.f32 v36, v35;
	[tilespmem:s20+$0x11C20] =	vst v3;
	v3 =	vld [tilespmem:s20+$0x7C60]  }
0x19e: {  	[tilespmem:s20+$0x11800] =	vst v4;
	v43 =	vadd.f32 v38, v37  }
0x19f: {  	s16 =	sadd.s32 s4, s16;
	s15 =	sadd.s32 $0x1, s15;
	[tilespmem:s20+$0x11810] =	vst v40;
	v5 =	vadd.f32 v57, v56  }
0x1a0: {  	s16 =	smul.u32 $0x14000, s16;
	p0 =	sne.s32 s15, $0x40;
	v4 =	vadd.f32 v59, v58;
	[tilespmem:s20+$0x11820] =	vst v43  }
.Ltmp5:
0x1a1: {  	v63 =	vadd.f32 v61, v60;
	[tilespmem:s20+$0x11C30] =	vst v5;
	(pc) =	sbr.rel @p0 .LBB2_2-.Ltmp5, $4  }
0x1a2: {  	s16 =	sor.u32 s5, s16;
	[tilespmem:s20+$0x11C40] =	vst v4;
	v3 =	vadd.f32 v62, v3  }
0x1a3: {  	s16 =	sshrl.u32 s16, $0x3;
	[tilespmem:s20+$0x11C50] =	vst v63  }
0x1a4: {  	s16 =	sadd.s32 s3, s16;
	[tilespmem:s20+$0x11C60] =	vst v3  }
0x1a5: {  	[hbm4b:s16+s10] =	stream.strided.scatter [tilespmem:s14], [sflag:$0x4], $0x5000, s11, s10, $0x38;
	[tilespmem:$0x1B800] =	vst v63  }
0x1a6: {  	s15 =	simm.s32 $0x3  }
0x1a7: {  	_ =	swait.ge [sflag:s15], $0x5000  }
0x1a8: {  	[sflag:s15] =	ssyncset.done $0x0  }
0x1a9: {  	[sflag:s15] =	ssyncadd.s32 $0xFFFFB000  }
0x1aa: {  	_ =	swait.ge [sflag:s13], $0x5000  }
0x1ab: {  	s16 =	rddreg [dreg:$0x8]  }
0x1ac: {  	s22 =	rddreg [dreg:$0x7];
	s16 =	sadd.s32 $0x1, s16  }
0x1ad: {  	p0 =	sne.s32 s16, s22  }
.Ltmp6:
0x1ae: {  	_ = 	snop;
	(pc) =	sbr.rel @p0 .LBB2_1-.Ltmp6, $3  }
0x1af: {  	_ =	sdelay $0x1  }
0x1b0: {  	[sflag:s13] =	ssyncset.done $0x0  }
0x1b1: {  	[sflag:s13] =	ssyncadd.s32 $0xFFFFB000  }
0x1b2: {  	_ =	sfence.sel $0x180000  }
0x1b3: {  	[bflag:$0x0] =	sbarrier.arrive $0xFFFF  }
0x1b4: {  	_ =	strace $0x90000047  }
0x1b5: {  	s0 =	stileid.u32;
	[bflag:$0x2] =	sbarrier.arrive $0xFFFF  }
0x1b6: {  	p0 =	sne.s32 s0, $0x0;
	s0 =	rddreg [dreg:$0x4]  }
0x1b7: {  	s0 =	sadd.s32 @!p0 $0x100000, s0  }
0x1b8: {  	[sflag:s0] =	ssyncadd.tile.s32 @!p0 $0x1;
	_ =	shalt  }
.Lfunc_end2:
_tile_overlayer_lowered:
.L_overlay_start_2:
0x1b9: {  	(tag) =	ssettag $0x2  }
0x1ba: {  	s0 =	rddreg [dreg:$0x0];
	s2 =	stileid.u32  }
0x1bb: {  	s1 =	rddreg [dreg:$0x1];
	p0 =	sne.s32 s2, $0x0  }
0x1bc: {  	s3 =	rddreg [dreg:$0x2];
	[bflag:$0x3] =	sbarrier.arrive $0xFFFF;
	s2 =	simm.s32 @!p0 $0x1C05  }
0x1bd: {  	[timem:s3], [sflag:s2] =	dma.local @!p0 [hbm:s0], s1  }
0x1be: {  	s0 =	simm.s32 @!p0 $0x5  }
0x1bf: {  	_ =	swait.ge @!p0 [sflag:s0], s1  }
0x1c0: {  	s1 =	ssub.s32 @!p0 $0x0, s1;
	[sflag:s0] =	ssyncset.done @!p0 $0x0  }
0x1c1: {  	[sflag:s0] =	ssyncadd.s32 @!p0 s1  }
0x1c2: {  	[bflag:$0x3] =	sbarrier.arrive $0xFFFF  }
0x1c3: {  	_ =	shalt  }

</sc_bundles>
